<compile_context>
chip_gen: v7x
topology: tpu7x:2x2x1
jax: 0.10.2.dev20260603
libtpu: 0.0.44.dev20260713+nightly
codegen_flags: <defaults>
</compile_context>

<pallas_src>
import functools

import jax
import jax.numpy as jnp
from jax import lax
from jax.experimental import pallas as pl
from jax.experimental.pallas import tpu as pltpu
from jax.experimental.pallas import tpu_sc as plsc

EMB = 64
K = 128
M = 4
NBUF = 2
H = 1


@functools.lru_cache(maxsize=None)
def _build(n_rows: int, emb: int):
    info = plsc.get_sparse_core_info()
    nc, ns = info.num_cores, info.num_subcores
    nw = nc * ns
    assert n_rows % (nw * K * M) == 0
    n = n_rows // (nw * K)
    ns_w = n // M
    assert ns_w % NBUF == 0

    mesh = plsc.VectorSubcoreMesh(core_axis_name="c", subcore_axis_name="s")
    out_t = jax.ShapeDtypeStruct((n_rows // K, K, emb), jnp.float32)

    @functools.partial(
        pl.kernel,
        mesh=mesh,
        out_type=(out_t, out_t),
        scratch_types=(
            pltpu.VMEM((n, K), jnp.int32),
            tuple(pltpu.VMEM((M, K, emb), jnp.float32) for _ in range(NBUF)),
            tuple(pltpu.SemaphoreType.DMA for _ in range(NBUF)),
            tuple(pltpu.SemaphoreType.DMA for _ in range(NBUF)),
        ),
        compiler_params=pltpu.CompilerParams(use_tc_tiling_on_sc=False),
    )
    def gather2(table_hbm, idx_a_hbm, idx_b_hbm, out_a_hbm, out_b_hbm,
                idx_v, bufs, gsems, wsems):
        wid = lax.axis_index("s") * nc + lax.axis_index("c")
        chunk_base = wid * n

        for idx_hbm, out_hbm in ((idx_a_hbm, out_a_hbm), (idx_b_hbm, out_b_hbm)):
            pltpu.sync_copy(idx_hbm.at[pl.ds(chunk_base, n), :], idx_v)
            for b in range(H):
                for c in range(M):
                    pltpu.async_copy(
                        table_hbm.at[idx_v.at[b * M + c]], bufs[b].at[c],
                        gsems[b])

            def outer(g, _):
                for b in range(NBUF):
                    j = g * NBUF + b
                    bi = (b + H) % NBUF

                    @pl.when(j + H < ns_w)
                    def _():
                        @pl.when(j + H >= NBUF)
                        def _():
                            pltpu.make_async_copy(
                                bufs[bi],
                                out_hbm.at[pl.ds(chunk_base + j * M, M)],
                                wsems[bi]).wait()
                        for c in range(M):
                            pltpu.async_copy(
                                table_hbm.at[idx_v.at[(j + H) * M + c]],
                                bufs[bi].at[c], gsems[bi])

                    for c in range(M):
                        pltpu.make_async_copy(
                            table_hbm.at[idx_v.at[j * M + c]],
                            bufs[b].at[c], gsems[b]).wait()
                    pltpu.async_copy(
                        bufs[b],
                        out_hbm.at[pl.ds(chunk_base + j * M, M)],
                        wsems[b])
                return 0

            lax.fori_loop(0, ns_w // NBUF, outer, 0)
            for b in range(NBUF):
                pltpu.make_async_copy(
                    bufs[b], out_hbm.at[pl.ds(chunk_base, M)],
                    wsems[b]).wait()

    return gather2


def kernel(table, inputs, support):
    bsz, seq = inputs.shape
    n_rows = bsz * seq
    idx_a = inputs.astype(jnp.int32).reshape(n_rows // K, K)
    idx_b = support.astype(jnp.int32).reshape(n_rows // K, K)
    fn = _build(n_rows, table.shape[1])
    out_a, out_b = fn(table, idx_a, idx_b)
    return (out_a.reshape(bsz, seq, table.shape[1]),
            out_b.reshape(bsz, seq, table.shape[1]))

# --- scband reference (transcript-rebuilt; emitter-appended) ---
"""Pipeline reference for scband-embedding-10720238371248 (READ-ONLY COPY).

The authoritative reference and input builder live on the scoring server;
editing this copy changes nothing except your own understanding.
"""

import jax, jax.numpy as jnp
import numpy as np

VOCAB = 1000000
EMB = 64

def setup_inputs(seed: int = 0) -> dict:
    key = jax.random.key(seed)
    k1, k2, k3 = jax.random.split(key, 3)
    table = jax.random.normal(k1, (VOCAB, EMB), dtype=jnp.float32) * 0.02
    table = table.at[0].set(0.0)  # padding_idx=0
    inputs = jax.random.randint(k2, (4096, 200), 0, VOCAB, dtype=jnp.int64)
    support = jax.random.randint(k3, (4096, 200), 0, VOCAB, dtype=jnp.int64)
    return {"table": table, "inputs": inputs, "support": support}

def reference(table, inputs, support):
    # torch.nn.Embedding(num_embeddings, embedding_size, padding_idx=0)
    # forward is a pure gather; padding row (index 0) is held at zero.
    t = table.at[0].set(0.0)
    input_seq = jnp.take(t, inputs, axis=0)
    support_seq = jnp.take(t, support, axis=0)
    return (input_seq, support_seq)

if __name__ == "__main__":
    import jax
    _d = setup_inputs()
    print(jax.jit(kernel)(*tuple(_d.values())))

</pallas_src>

<mosaic_0001>
#map = affine_map<(d0, d1) -> (0, 0)>
#map1 = affine_map<(d0, d1) -> (0, 0, 0)>
module attributes {stable_mosaic.version = 14 : i64} {
  func.func @gather2(%arg0: i32, %arg1: i32, %arg2: memref<1000000x64xf32, #tpu.memory_space<hbm>>, %arg3: memref<6400x128xi32, #tpu.memory_space<hbm>>, %arg4: memref<6400x128xi32, #tpu.memory_space<hbm>>, %arg5: memref<6400x128x64xf32, #tpu.memory_space<hbm>>, %arg6: memref<6400x128x64xf32, #tpu.memory_space<hbm>>, %arg7: memref<200x128xi32, #tpu.memory_space<vmem>>, %arg8: memref<4x128x64xf32, #tpu.memory_space<vmem>>, %arg9: memref<4x128x64xf32, #tpu.memory_space<vmem>>, %arg10: memref<!tpu.dma_semaphore, #tpu.memory_space<semaphore_mem>>, %arg11: memref<!tpu.dma_semaphore, #tpu.memory_space<semaphore_mem>>, %arg12: memref<!tpu.dma_semaphore, #tpu.memory_space<semaphore_mem>>, %arg13: memref<!tpu.dma_semaphore, #tpu.memory_space<semaphore_mem>>) attributes {dimension_semantics = [#tpu.dimension_semantics<core_parallel>, #tpu.dimension_semantics<subcore_parallel>], iteration_bounds = array<i64: 2, 16>, scalar_prefetch = 0 : i64, scratch_operands = 7 : i64, tpu.core_type = #tpu.core_type<sc_vector_subcore>, window_params = [{transform_indices = #map}, {transform_indices = #map}, {transform_indices = #map}, {transform_indices = #map1}, {transform_indices = #map1}]} {
    %mul3A = arith.constant 2 : i32
    %mul3A_0 = arith.muli %arg1, %mul3A : i32
    %add3A = arith.addi %mul3A_0, %arg0 : i32
    %mul3A_1 = arith.constant 200 : i32
    %mul3A_2 = arith.muli %add3A, %mul3A_1 : i32
    "tpu.region"() ({
      %run_scoped3A = tpu.sem_alloc : memref<!tpu.dma_semaphore, #tpu.memory_space<semaphore_mem>>
      %dma_start3A_134 = arith.constant 0 : i32
      %dma_start3A_135 = tpu.memref_slice %arg3[%mul3A_2, %dma_start3A_134] : memref<6400x128xi32, #tpu.memory_space<hbm>> -> memref<200x128xi32, #tpu.memory_space<hbm>>
      %dma_start3A_136 = arith.constant 0 : i32
      %dma_start3A_137 = tpu.memref_slice %arg3[%mul3A_2, %dma_start3A_136] : memref<6400x128xi32, #tpu.memory_space<hbm>> -> memref<200x128xi32, #tpu.memory_space<hbm>>
      tpu.enqueue_dma source(%dma_start3A_137 : memref<200x128xi32, #tpu.memory_space<hbm>>) target(%arg7 : memref<200x128xi32, #tpu.memory_space<vmem>>) target_semaphore(%run_scoped3A : memref<!tpu.dma_semaphore, #tpu.memory_space<semaphore_mem>>)
      %dma_wait3A_138 = arith.constant 0 : i32
      %dma_wait3A_139 = tpu.memref_slice %arg3[%mul3A_2, %dma_wait3A_138] : memref<6400x128xi32, #tpu.memory_space<hbm>> -> memref<200x128xi32, #tpu.memory_space<hbm>>
      %dma_wait3A_140 = arith.constant 0 : i32
      %dma_wait3A_141 = tpu.memref_slice %arg3[%mul3A_2, %dma_wait3A_140] : memref<6400x128xi32, #tpu.memory_space<hbm>> -> memref<200x128xi32, #tpu.memory_space<hbm>>
      tpu.wait_dma2 semaphore(%run_scoped3A : memref<!tpu.dma_semaphore, #tpu.memory_space<semaphore_mem>>) src(%dma_wait3A_141 : memref<200x128xi32, #tpu.memory_space<hbm>>) dst(%arg7 : memref<200x128xi32, #tpu.memory_space<vmem>>)
      tpu.yield
    }) : () -> ()
    %dma_start3A = arith.constant 0 : i32
    %dma_start3A_3 = arith.constant 0 : i32
    %dma_start3A_4 = arith.constant 0 : i32
    %dma_start3A_5 = arith.constant 0 : i32
    %dma_start3A_6 = tpu.memref_slice %arg8[%dma_start3A_3, %dma_start3A_4, %dma_start3A_5] : memref<4x128x64xf32, #tpu.memory_space<vmem>> -> memref<1x128x64xf32, #tpu.memory_space<vmem>>
    %dma_start3A_7 = tpu.memref_squeeze %dma_start3A_6 : memref<1x128x64xf32, #tpu.memory_space<vmem>> -> memref<128x64xf32, #tpu.memory_space<vmem>>
    %dma_start3A_8 = arith.constant 0 : i32
    %dma_start3A_9 = tpu.memref_slice %arg7[%dma_start3A, %dma_start3A_8] : memref<200x128xi32, #tpu.memory_space<vmem>> -> memref<1x128xi32, #tpu.memory_space<vmem>>
    %dma_start3A_10 = tpu.memref_squeeze %dma_start3A_9 : memref<1x128xi32, #tpu.memory_space<vmem>> -> memref<128xi32, #tpu.memory_space<vmem>>
    %dma_start3A_11 = arith.constant 0 : i32
    %dma_start3A_12 = arith.constant 0 : i32
    %dma_start3A_13 = tpu.memref_slice %arg2[%dma_start3A_11, %dma_start3A_12] : memref<1000000x64xf32, #tpu.memory_space<hbm>> -> memref<1000000x64xf32, #tpu.memory_space<hbm>>
    tpu.enqueue_indirect_dma source(%dma_start3A_13 : memref<1000000x64xf32, #tpu.memory_space<hbm>>) target(%dma_start3A_7 : memref<128x64xf32, #tpu.memory_space<vmem>>) offsets(%dma_start3A_10 : memref<128xi32, #tpu.memory_space<vmem>>) semaphore(%arg10 : memref<!tpu.dma_semaphore, #tpu.memory_space<semaphore_mem>>)
    %dma_start3A_14 = arith.constant 1 : i32
    %dma_start3A_15 = arith.constant 1 : i32
    %dma_start3A_16 = arith.constant 0 : i32
    %dma_start3A_17 = arith.constant 0 : i32
    %dma_start3A_18 = tpu.memref_slice %arg8[%dma_start3A_15, %dma_start3A_16, %dma_start3A_17] : memref<4x128x64xf32, #tpu.memory_space<vmem>> -> memref<1x128x64xf32, #tpu.memory_space<vmem>>
    %dma_start3A_19 = tpu.memref_squeeze %dma_start3A_18 : memref<1x128x64xf32, #tpu.memory_space<vmem>> -> memref<128x64xf32, #tpu.memory_space<vmem>>
    %dma_start3A_20 = arith.constant 0 : i32
    %dma_start3A_21 = tpu.memref_slice %arg7[%dma_start3A_14, %dma_start3A_20] : memref<200x128xi32, #tpu.memory_space<vmem>> -> memref<1x128xi32, #tpu.memory_space<vmem>>
    %dma_start3A_22 = tpu.memref_squeeze %dma_start3A_21 : memref<1x128xi32, #tpu.memory_space<vmem>> -> memref<128xi32, #tpu.memory_space<vmem>>
    %dma_start3A_23 = arith.constant 0 : i32
    %dma_start3A_24 = arith.constant 0 : i32
    %dma_start3A_25 = tpu.memref_slice %arg2[%dma_start3A_23, %dma_start3A_24] : memref<1000000x64xf32, #tpu.memory_space<hbm>> -> memref<1000000x64xf32, #tpu.memory_space<hbm>>
    tpu.enqueue_indirect_dma source(%dma_start3A_25 : memref<1000000x64xf32, #tpu.memory_space<hbm>>) target(%dma_start3A_19 : memref<128x64xf32, #tpu.memory_space<vmem>>) offsets(%dma_start3A_22 : memref<128xi32, #tpu.memory_space<vmem>>) semaphore(%arg10 : memref<!tpu.dma_semaphore, #tpu.memory_space<semaphore_mem>>)
    %dma_start3A_26 = arith.constant 2 : i32
    %dma_start3A_27 = arith.constant 2 : i32
    %dma_start3A_28 = arith.constant 0 : i32
    %dma_start3A_29 = arith.constant 0 : i32
    %dma_start3A_30 = tpu.memref_slice %arg8[%dma_start3A_27, %dma_start3A_28, %dma_start3A_29] : memref<4x128x64xf32, #tpu.memory_space<vmem>> -> memref<1x128x64xf32, #tpu.memory_space<vmem>>
    %dma_start3A_31 = tpu.memref_squeeze %dma_start3A_30 : memref<1x128x64xf32, #tpu.memory_space<vmem>> -> memref<128x64xf32, #tpu.memory_space<vmem>>
    %dma_start3A_32 = arith.constant 0 : i32
    %dma_start3A_33 = tpu.memref_slice %arg7[%dma_start3A_26, %dma_start3A_32] : memref<200x128xi32, #tpu.memory_space<vmem>> -> memref<1x128xi32, #tpu.memory_space<vmem>>
    %dma_start3A_34 = tpu.memref_squeeze %dma_start3A_33 : memref<1x128xi32, #tpu.memory_space<vmem>> -> memref<128xi32, #tpu.memory_space<vmem>>
    %dma_start3A_35 = arith.constant 0 : i32
    %dma_start3A_36 = arith.constant 0 : i32
    %dma_start3A_37 = tpu.memref_slice %arg2[%dma_start3A_35, %dma_start3A_36] : memref<1000000x64xf32, #tpu.memory_space<hbm>> -> memref<1000000x64xf32, #tpu.memory_space<hbm>>
    tpu.enqueue_indirect_dma source(%dma_start3A_37 : memref<1000000x64xf32, #tpu.memory_space<hbm>>) target(%dma_start3A_31 : memref<128x64xf32, #tpu.memory_space<vmem>>) offsets(%dma_start3A_34 : memref<128xi32, #tpu.memory_space<vmem>>) semaphore(%arg10 : memref<!tpu.dma_semaphore, #tpu.memory_space<semaphore_mem>>)
    %dma_start3A_38 = arith.constant 3 : i32
    %dma_start3A_39 = arith.constant 3 : i32
    %dma_start3A_40 = arith.constant 0 : i32
    %dma_start3A_41 = arith.constant 0 : i32
    %dma_start3A_42 = tpu.memref_slice %arg8[%dma_start3A_39, %dma_start3A_40, %dma_start3A_41] : memref<4x128x64xf32, #tpu.memory_space<vmem>> -> memref<1x128x64xf32, #tpu.memory_space<vmem>>
    %dma_start3A_43 = tpu.memref_squeeze %dma_start3A_42 : memref<1x128x64xf32, #tpu.memory_space<vmem>> -> memref<128x64xf32, #tpu.memory_space<vmem>>
    %dma_start3A_44 = arith.constant 0 : i32
    %dma_start3A_45 = tpu.memref_slice %arg7[%dma_start3A_38, %dma_start3A_44] : memref<200x128xi32, #tpu.memory_space<vmem>> -> memref<1x128xi32, #tpu.memory_space<vmem>>
    %dma_start3A_46 = tpu.memref_squeeze %dma_start3A_45 : memref<1x128xi32, #tpu.memory_space<vmem>> -> memref<128xi32, #tpu.memory_space<vmem>>
    %dma_start3A_47 = arith.constant 0 : i32
    %dma_start3A_48 = arith.constant 0 : i32
    %dma_start3A_49 = tpu.memref_slice %arg2[%dma_start3A_47, %dma_start3A_48] : memref<1000000x64xf32, #tpu.memory_space<hbm>> -> memref<1000000x64xf32, #tpu.memory_space<hbm>>
    tpu.enqueue_indirect_dma source(%dma_start3A_49 : memref<1000000x64xf32, #tpu.memory_space<hbm>>) target(%dma_start3A_43 : memref<128x64xf32, #tpu.memory_space<vmem>>) offsets(%dma_start3A_46 : memref<128xi32, #tpu.memory_space<vmem>>) semaphore(%arg10 : memref<!tpu.dma_semaphore, #tpu.memory_space<semaphore_mem>>)
    %scan3A = arith.constant 0 : i32
    %scan3A_50 = arith.constant 0 : i32
    %scan3A_51 = arith.constant 25 : i32
    %scan3A_52 = arith.addi %scan3A_50, %scan3A_51 : i32
    %scan3A_53 = arith.constant 1 : i32
    %scan3A_54 = scf.for %scan3A_134 = %scan3A_50 to %scan3A_52 step %scan3A_53 iter_args(%scan3A_135 = %scan3A) -> (i32)  : i32 {
      %mul3A_136 = arith.constant 2 : i32
      %mul3A_137 = arith.muli %scan3A_134, %mul3A_136 : i32
      %add3A_138 = arith.constant 0 : i32
      %add3A_139 = arith.addi %mul3A_137, %add3A_138 : i32
      %add3A_140 = arith.constant 1 : i32
      %add3A_141 = arith.addi %add3A_139, %add3A_140 : i32
      %lt3A = arith.constant 50 : i32
      %lt3A_142 = arith.cmpi slt, %add3A_141, %lt3A : i32
      %convert_element_type3A = arith.extui %lt3A_142 : i1 to i32
      %cond3A = arith.constant 0 : i32
      %cond3A_143 = arith.cmpi ne, %convert_element_type3A, %cond3A : i32
      scf.if %cond3A_143 {
        %add3A_294 = arith.constant 1 : i32
        %add3A_295 = arith.addi %add3A_139, %add3A_294 : i32
        %ge3A = arith.constant 2 : i32
        %ge3A_296 = arith.cmpi sge, %add3A_295, %ge3A : i32
        %convert_element_type3A_297 = arith.extui %ge3A_296 : i1 to i32
        %cond3A_298 = arith.constant 0 : i32
        %cond3A_299 = arith.cmpi ne, %convert_element_type3A_297, %cond3A_298 : i32
        scf.if %cond3A_299 {
          %mul3A_368 = arith.constant 4 : i32
          %mul3A_369 = arith.muli %add3A_139, %mul3A_368 : i32
          %add3A_370 = arith.addi %mul3A_2, %mul3A_369 : i32
          %dma_wait3A_371 = arith.constant 0 : i32
          %dma_wait3A_372 = arith.constant 0 : i32
          %dma_wait3A_373 = tpu.memref_slice %arg5[%add3A_370, %dma_wait3A_371, %dma_wait3A_372] : memref<6400x128x64xf32, #tpu.memory_space<hbm>> -> memref<4x128x64xf32, #tpu.memory_space<hbm>>
          %dma_wait3A_374 = arith.constant 0 : i32
          %dma_wait3A_375 = arith.constant 0 : i32
          %dma_wait3A_376 = tpu.memref_slice %arg5[%add3A_370, %dma_wait3A_374, %dma_wait3A_375] : memref<6400x128x64xf32, #tpu.memory_space<hbm>> -> memref<4x128x64xf32, #tpu.memory_space<hbm>>
          tpu.wait_dma2 semaphore(%arg13 : memref<!tpu.dma_semaphore, #tpu.memory_space<semaphore_mem>>) src(%arg9 : memref<4x128x64xf32, #tpu.memory_space<vmem>>) dst(%dma_wait3A_376 : memref<4x128x64xf32, #tpu.memory_space<hbm>>)
        } else {
        }
        %add3A_300 = arith.constant 1 : i32
        %add3A_301 = arith.addi %add3A_139, %add3A_300 : i32
        %mul3A_302 = arith.constant 4 : i32
        %mul3A_303 = arith.muli %add3A_301, %mul3A_302 : i32
        %add3A_304 = arith.constant 0 : i32
        %add3A_305 = arith.addi %mul3A_303, %add3A_304 : i32
        %dma_start3A_306 = arith.constant 0 : i32
        %dma_start3A_307 = arith.constant 0 : i32
        %dma_start3A_308 = arith.constant 0 : i32
        %dma_start3A_309 = tpu.memref_slice %arg9[%dma_start3A_306, %dma_start3A_307, %dma_start3A_308] : memref<4x128x64xf32, #tpu.memory_space<vmem>> -> memref<1x128x64xf32, #tpu.memory_space<vmem>>
        %dma_start3A_310 = tpu.memref_squeeze %dma_start3A_309 : memref<1x128x64xf32, #tpu.memory_space<vmem>> -> memref<128x64xf32, #tpu.memory_space<vmem>>
        %dma_start3A_311 = arith.constant 0 : i32
        %dma_start3A_312 = tpu.memref_slice %arg7[%add3A_305, %dma_start3A_311] : memref<200x128xi32, #tpu.memory_space<vmem>> -> memref<1x128xi32, #tpu.memory_space<vmem>>
        %dma_start3A_313 = tpu.memref_squeeze %dma_start3A_312 : memref<1x128xi32, #tpu.memory_space<vmem>> -> memref<128xi32, #tpu.memory_space<vmem>>
        %dma_start3A_314 = arith.constant 0 : i32
        %dma_start3A_315 = arith.constant 0 : i32
        %dma_start3A_316 = tpu.memref_slice %arg2[%dma_start3A_314, %dma_start3A_315] : memref<1000000x64xf32, #tpu.memory_space<hbm>> -> memref<1000000x64xf32, #tpu.memory_space<hbm>>
        tpu.enqueue_indirect_dma source(%dma_start3A_316 : memref<1000000x64xf32, #tpu.memory_space<hbm>>) target(%dma_start3A_310 : memref<128x64xf32, #tpu.memory_space<vmem>>) offsets(%dma_start3A_313 : memref<128xi32, #tpu.memory_space<vmem>>) semaphore(%arg11 : memref<!tpu.dma_semaphore, #tpu.memory_space<semaphore_mem>>)
        %add3A_317 = arith.constant 1 : i32
        %add3A_318 = arith.addi %add3A_139, %add3A_317 : i32
        %mul3A_319 = arith.constant 4 : i32
        %mul3A_320 = arith.muli %add3A_318, %mul3A_319 : i32
        %add3A_321 = arith.constant 1 : i32
        %add3A_322 = arith.addi %mul3A_320, %add3A_321 : i32
        %dma_start3A_323 = arith.constant 1 : i32
        %dma_start3A_324 = arith.constant 0 : i32
        %dma_start3A_325 = arith.constant 0 : i32
        %dma_start3A_326 = tpu.memref_slice %arg9[%dma_start3A_323, %dma_start3A_324, %dma_start3A_325] : memref<4x128x64xf32, #tpu.memory_space<vmem>> -> memref<1x128x64xf32, #tpu.memory_space<vmem>>
        %dma_start3A_327 = tpu.memref_squeeze %dma_start3A_326 : memref<1x128x64xf32, #tpu.memory_space<vmem>> -> memref<128x64xf32, #tpu.memory_space<vmem>>
        %dma_start3A_328 = arith.constant 0 : i32
        %dma_start3A_329 = tpu.memref_slice %arg7[%add3A_322, %dma_start3A_328] : memref<200x128xi32, #tpu.memory_space<vmem>> -> memref<1x128xi32, #tpu.memory_space<vmem>>
        %dma_start3A_330 = tpu.memref_squeeze %dma_start3A_329 : memref<1x128xi32, #tpu.memory_space<vmem>> -> memref<128xi32, #tpu.memory_space<vmem>>
        %dma_start3A_331 = arith.constant 0 : i32
        %dma_start3A_332 = arith.constant 0 : i32
        %dma_start3A_333 = tpu.memref_slice %arg2[%dma_start3A_331, %dma_start3A_332] : memref<1000000x64xf32, #tpu.memory_space<hbm>> -> memref<1000000x64xf32, #tpu.memory_space<hbm>>
        tpu.enqueue_indirect_dma source(%dma_start3A_333 : memref<1000000x64xf32, #tpu.memory_space<hbm>>) target(%dma_start3A_327 : memref<128x64xf32, #tpu.memory_space<vmem>>) offsets(%dma_start3A_330 : memref<128xi32, #tpu.memory_space<vmem>>) semaphore(%arg11 : memref<!tpu.dma_semaphore, #tpu.memory_space<semaphore_mem>>)
        %add3A_334 = arith.constant 1 : i32
        %add3A_335 = arith.addi %add3A_139, %add3A_334 : i32
        %mul3A_336 = arith.constant 4 : i32
        %mul3A_337 = arith.muli %add3A_335, %mul3A_336 : i32
        %add3A_338 = arith.constant 2 : i32
        %add3A_339 = arith.addi %mul3A_337, %add3A_338 : i32
        %dma_start3A_340 = arith.constant 2 : i32
        %dma_start3A_341 = arith.constant 0 : i32
        %dma_start3A_342 = arith.constant 0 : i32
        %dma_start3A_343 = tpu.memref_slice %arg9[%dma_start3A_340, %dma_start3A_341, %dma_start3A_342] : memref<4x128x64xf32, #tpu.memory_space<vmem>> -> memref<1x128x64xf32, #tpu.memory_space<vmem>>
        %dma_start3A_344 = tpu.memref_squeeze %dma_start3A_343 : memref<1x128x64xf32, #tpu.memory_space<vmem>> -> memref<128x64xf32, #tpu.memory_space<vmem>>
        %dma_start3A_345 = arith.constant 0 : i32
        %dma_start3A_346 = tpu.memref_slice %arg7[%add3A_339, %dma_start3A_345] : memref<200x128xi32, #tpu.memory_space<vmem>> -> memref<1x128xi32, #tpu.memory_space<vmem>>
        %dma_start3A_347 = tpu.memref_squeeze %dma_start3A_346 : memref<1x128xi32, #tpu.memory_space<vmem>> -> memref<128xi32, #tpu.memory_space<vmem>>
        %dma_start3A_348 = arith.constant 0 : i32
        %dma_start3A_349 = arith.constant 0 : i32
        %dma_start3A_350 = tpu.memref_slice %arg2[%dma_start3A_348, %dma_start3A_349] : memref<1000000x64xf32, #tpu.memory_space<hbm>> -> memref<1000000x64xf32, #tpu.memory_space<hbm>>
        tpu.enqueue_indirect_dma source(%dma_start3A_350 : memref<1000000x64xf32, #tpu.memory_space<hbm>>) target(%dma_start3A_344 : memref<128x64xf32, #tpu.memory_space<vmem>>) offsets(%dma_start3A_347 : memref<128xi32, #tpu.memory_space<vmem>>) semaphore(%arg11 : memref<!tpu.dma_semaphore, #tpu.memory_space<semaphore_mem>>)
        %add3A_351 = arith.constant 1 : i32
        %add3A_352 = arith.addi %add3A_139, %add3A_351 : i32
        %mul3A_353 = arith.constant 4 : i32
        %mul3A_354 = arith.muli %add3A_352, %mul3A_353 : i32
        %add3A_355 = arith.constant 3 : i32
        %add3A_356 = arith.addi %mul3A_354, %add3A_355 : i32
        %dma_start3A_357 = arith.constant 3 : i32
        %dma_start3A_358 = arith.constant 0 : i32
        %dma_start3A_359 = arith.constant 0 : i32
        %dma_start3A_360 = tpu.memref_slice %arg9[%dma_start3A_357, %dma_start3A_358, %dma_start3A_359] : memref<4x128x64xf32, #tpu.memory_space<vmem>> -> memref<1x128x64xf32, #tpu.memory_space<vmem>>
        %dma_start3A_361 = tpu.memref_squeeze %dma_start3A_360 : memref<1x128x64xf32, #tpu.memory_space<vmem>> -> memref<128x64xf32, #tpu.memory_space<vmem>>
        %dma_start3A_362 = arith.constant 0 : i32
        %dma_start3A_363 = tpu.memref_slice %arg7[%add3A_356, %dma_start3A_362] : memref<200x128xi32, #tpu.memory_space<vmem>> -> memref<1x128xi32, #tpu.memory_space<vmem>>
        %dma_start3A_364 = tpu.memref_squeeze %dma_start3A_363 : memref<1x128xi32, #tpu.memory_space<vmem>> -> memref<128xi32, #tpu.memory_space<vmem>>
        %dma_start3A_365 = arith.constant 0 : i32
        %dma_start3A_366 = arith.constant 0 : i32
        %dma_start3A_367 = tpu.memref_slice %arg2[%dma_start3A_365, %dma_start3A_366] : memref<1000000x64xf32, #tpu.memory_space<hbm>> -> memref<1000000x64xf32, #tpu.memory_space<hbm>>
        tpu.enqueue_indirect_dma source(%dma_start3A_367 : memref<1000000x64xf32, #tpu.memory_space<hbm>>) target(%dma_start3A_361 : memref<128x64xf32, #tpu.memory_space<vmem>>) offsets(%dma_start3A_364 : memref<128xi32, #tpu.memory_space<vmem>>) semaphore(%arg11 : memref<!tpu.dma_semaphore, #tpu.memory_space<semaphore_mem>>)
      } else {
      }
      %mul3A_144 = arith.constant 4 : i32
      %mul3A_145 = arith.muli %add3A_139, %mul3A_144 : i32
      %add3A_146 = arith.constant 0 : i32
      %add3A_147 = arith.addi %mul3A_145, %add3A_146 : i32
      %dma_wait3A_148 = arith.constant 0 : i32
      %dma_wait3A_149 = arith.constant 0 : i32
      %dma_wait3A_150 = arith.constant 0 : i32
      %dma_wait3A_151 = tpu.memref_slice %arg8[%dma_wait3A_148, %dma_wait3A_149, %dma_wait3A_150] : memref<4x128x64xf32, #tpu.memory_space<vmem>> -> memref<1x128x64xf32, #tpu.memory_space<vmem>>
      %dma_wait3A_152 = tpu.memref_squeeze %dma_wait3A_151 : memref<1x128x64xf32, #tpu.memory_space<vmem>> -> memref<128x64xf32, #tpu.memory_space<vmem>>
      %dma_wait3A_153 = arith.constant 0 : i32
      %dma_wait3A_154 = tpu.memref_slice %arg7[%add3A_147, %dma_wait3A_153] : memref<200x128xi32, #tpu.memory_space<vmem>> -> memref<1x128xi32, #tpu.memory_space<vmem>>
      %dma_wait3A_155 = tpu.memref_squeeze %dma_wait3A_154 : memref<1x128xi32, #tpu.memory_space<vmem>> -> memref<128xi32, #tpu.memory_space<vmem>>
      %dma_wait3A_156 = arith.constant 0 : i32
      %dma_wait3A_157 = arith.constant 0 : i32
      %dma_wait3A_158 = tpu.memref_slice %arg2[%dma_wait3A_156, %dma_wait3A_157] : memref<1000000x64xf32, #tpu.memory_space<hbm>> -> memref<1000000x64xf32, #tpu.memory_space<hbm>>
      tpu.wait_indirect_dma semaphore(%arg10 : memref<!tpu.dma_semaphore, #tpu.memory_space<semaphore_mem>>) src(%dma_wait3A_158 : memref<1000000x64xf32, #tpu.memory_space<hbm>>) dst(%dma_wait3A_152 : memref<128x64xf32, #tpu.memory_space<vmem>>)
      %mul3A_159 = arith.constant 4 : i32
      %mul3A_160 = arith.muli %add3A_139, %mul3A_159 : i32
      %add3A_161 = arith.constant 1 : i32
      %add3A_162 = arith.addi %mul3A_160, %add3A_161 : i32
      %dma_wait3A_163 = arith.constant 1 : i32
      %dma_wait3A_164 = arith.constant 0 : i32
      %dma_wait3A_165 = arith.constant 0 : i32
      %dma_wait3A_166 = tpu.memref_slice %arg8[%dma_wait3A_163, %dma_wait3A_164, %dma_wait3A_165] : memref<4x128x64xf32, #tpu.memory_space<vmem>> -> memref<1x128x64xf32, #tpu.memory_space<vmem>>
      %dma_wait3A_167 = tpu.memref_squeeze %dma_wait3A_166 : memref<1x128x64xf32, #tpu.memory_space<vmem>> -> memref<128x64xf32, #tpu.memory_space<vmem>>
      %dma_wait3A_168 = arith.constant 0 : i32
      %dma_wait3A_169 = tpu.memref_slice %arg7[%add3A_162, %dma_wait3A_168] : memref<200x128xi32, #tpu.memory_space<vmem>> -> memref<1x128xi32, #tpu.memory_space<vmem>>
      %dma_wait3A_170 = tpu.memref_squeeze %dma_wait3A_169 : memref<1x128xi32, #tpu.memory_space<vmem>> -> memref<128xi32, #tpu.memory_space<vmem>>
      %dma_wait3A_171 = arith.constant 0 : i32
      %dma_wait3A_172 = arith.constant 0 : i32
      %dma_wait3A_173 = tpu.memref_slice %arg2[%dma_wait3A_171, %dma_wait3A_172] : memref<1000000x64xf32, #tpu.memory_space<hbm>> -> memref<1000000x64xf32, #tpu.memory_space<hbm>>
      tpu.wait_indirect_dma semaphore(%arg10 : memref<!tpu.dma_semaphore, #tpu.memory_space<semaphore_mem>>) src(%dma_wait3A_173 : memref<1000000x64xf32, #tpu.memory_space<hbm>>) dst(%dma_wait3A_167 : memref<128x64xf32, #tpu.memory_space<vmem>>)
      %mul3A_174 = arith.constant 4 : i32
      %mul3A_175 = arith.muli %add3A_139, %mul3A_174 : i32
      %add3A_176 = arith.constant 2 : i32
      %add3A_177 = arith.addi %mul3A_175, %add3A_176 : i32
      %dma_wait3A_178 = arith.constant 2 : i32
      %dma_wait3A_179 = arith.constant 0 : i32
      %dma_wait3A_180 = arith.constant 0 : i32
      %dma_wait3A_181 = tpu.memref_slice %arg8[%dma_wait3A_178, %dma_wait3A_179, %dma_wait3A_180] : memref<4x128x64xf32, #tpu.memory_space<vmem>> -> memref<1x128x64xf32, #tpu.memory_space<vmem>>
      %dma_wait3A_182 = tpu.memref_squeeze %dma_wait3A_181 : memref<1x128x64xf32, #tpu.memory_space<vmem>> -> memref<128x64xf32, #tpu.memory_space<vmem>>
      %dma_wait3A_183 = arith.constant 0 : i32
      %dma_wait3A_184 = tpu.memref_slice %arg7[%add3A_177, %dma_wait3A_183] : memref<200x128xi32, #tpu.memory_space<vmem>> -> memref<1x128xi32, #tpu.memory_space<vmem>>
      %dma_wait3A_185 = tpu.memref_squeeze %dma_wait3A_184 : memref<1x128xi32, #tpu.memory_space<vmem>> -> memref<128xi32, #tpu.memory_space<vmem>>
      %dma_wait3A_186 = arith.constant 0 : i32
      %dma_wait3A_187 = arith.constant 0 : i32
      %dma_wait3A_188 = tpu.memref_slice %arg2[%dma_wait3A_186, %dma_wait3A_187] : memref<1000000x64xf32, #tpu.memory_space<hbm>> -> memref<1000000x64xf32, #tpu.memory_space<hbm>>
      tpu.wait_indirect_dma semaphore(%arg10 : memref<!tpu.dma_semaphore, #tpu.memory_space<semaphore_mem>>) src(%dma_wait3A_188 : memref<1000000x64xf32, #tpu.memory_space<hbm>>) dst(%dma_wait3A_182 : memref<128x64xf32, #tpu.memory_space<vmem>>)
      %mul3A_189 = arith.constant 4 : i32
      %mul3A_190 = arith.muli %add3A_139, %mul3A_189 : i32
      %add3A_191 = arith.constant 3 : i32
      %add3A_192 = arith.addi %mul3A_190, %add3A_191 : i32
      %dma_wait3A_193 = arith.constant 3 : i32
      %dma_wait3A_194 = arith.constant 0 : i32
      %dma_wait3A_195 = arith.constant 0 : i32
      %dma_wait3A_196 = tpu.memref_slice %arg8[%dma_wait3A_193, %dma_wait3A_194, %dma_wait3A_195] : memref<4x128x64xf32, #tpu.memory_space<vmem>> -> memref<1x128x64xf32, #tpu.memory_space<vmem>>
      %dma_wait3A_197 = tpu.memref_squeeze %dma_wait3A_196 : memref<1x128x64xf32, #tpu.memory_space<vmem>> -> memref<128x64xf32, #tpu.memory_space<vmem>>
      %dma_wait3A_198 = arith.constant 0 : i32
      %dma_wait3A_199 = tpu.memref_slice %arg7[%add3A_192, %dma_wait3A_198] : memref<200x128xi32, #tpu.memory_space<vmem>> -> memref<1x128xi32, #tpu.memory_space<vmem>>
      %dma_wait3A_200 = tpu.memref_squeeze %dma_wait3A_199 : memref<1x128xi32, #tpu.memory_space<vmem>> -> memref<128xi32, #tpu.memory_space<vmem>>
      %dma_wait3A_201 = arith.constant 0 : i32
      %dma_wait3A_202 = arith.constant 0 : i32
      %dma_wait3A_203 = tpu.memref_slice %arg2[%dma_wait3A_201, %dma_wait3A_202] : memref<1000000x64xf32, #tpu.memory_space<hbm>> -> memref<1000000x64xf32, #tpu.memory_space<hbm>>
      tpu.wait_indirect_dma semaphore(%arg10 : memref<!tpu.dma_semaphore, #tpu.memory_space<semaphore_mem>>) src(%dma_wait3A_203 : memref<1000000x64xf32, #tpu.memory_space<hbm>>) dst(%dma_wait3A_197 : memref<128x64xf32, #tpu.memory_space<vmem>>)
      %mul3A_204 = arith.constant 4 : i32
      %mul3A_205 = arith.muli %add3A_139, %mul3A_204 : i32
      %add3A_206 = arith.addi %mul3A_2, %mul3A_205 : i32
      %dma_start3A_207 = arith.constant 0 : i32
      %dma_start3A_208 = arith.constant 0 : i32
      %dma_start3A_209 = tpu.memref_slice %arg5[%add3A_206, %dma_start3A_207, %dma_start3A_208] : memref<6400x128x64xf32, #tpu.memory_space<hbm>> -> memref<4x128x64xf32, #tpu.memory_space<hbm>>
      %dma_start3A_210 = arith.constant 0 : i32
      %dma_start3A_211 = arith.constant 0 : i32
      %dma_start3A_212 = tpu.memref_slice %arg5[%add3A_206, %dma_start3A_210, %dma_start3A_211] : memref<6400x128x64xf32, #tpu.memory_space<hbm>> -> memref<4x128x64xf32, #tpu.memory_space<hbm>>
      tpu.enqueue_dma source(%arg8 : memref<4x128x64xf32, #tpu.memory_space<vmem>>) target(%dma_start3A_212 : memref<4x128x64xf32, #tpu.memory_space<hbm>>) target_semaphore(%arg12 : memref<!tpu.dma_semaphore, #tpu.memory_space<semaphore_mem>>)
      %mul3A_213 = arith.constant 2 : i32
      %mul3A_214 = arith.muli %scan3A_134, %mul3A_213 : i32
      %add3A_215 = arith.constant 1 : i32
      %add3A_216 = arith.addi %mul3A_214, %add3A_215 : i32
      %add3A_217 = arith.constant 1 : i32
      %add3A_218 = arith.addi %add3A_216, %add3A_217 : i32
      %lt3A_219 = arith.constant 50 : i32
      %lt3A_220 = arith.cmpi slt, %add3A_218, %lt3A_219 : i32
      %convert_element_type3A_221 = arith.extui %lt3A_220 : i1 to i32
      %cond3A_222 = arith.constant 0 : i32
      %cond3A_223 = arith.cmpi ne, %convert_element_type3A_221, %cond3A_222 : i32
      scf.if %cond3A_223 {
        %add3A_294 = arith.constant 1 : i32
        %add3A_295 = arith.addi %add3A_216, %add3A_294 : i32
        %ge3A = arith.constant 2 : i32
        %ge3A_296 = arith.cmpi sge, %add3A_295, %ge3A : i32
        %convert_element_type3A_297 = arith.extui %ge3A_296 : i1 to i32
        %cond3A_298 = arith.constant 0 : i32
        %cond3A_299 = arith.cmpi ne, %convert_element_type3A_297, %cond3A_298 : i32
        scf.if %cond3A_299 {
          %mul3A_368 = arith.constant 4 : i32
          %mul3A_369 = arith.muli %add3A_216, %mul3A_368 : i32
          %add3A_370 = arith.addi %mul3A_2, %mul3A_369 : i32
          %dma_wait3A_371 = arith.constant 0 : i32
          %dma_wait3A_372 = arith.constant 0 : i32
          %dma_wait3A_373 = tpu.memref_slice %arg5[%add3A_370, %dma_wait3A_371, %dma_wait3A_372] : memref<6400x128x64xf32, #tpu.memory_space<hbm>> -> memref<4x128x64xf32, #tpu.memory_space<hbm>>
          %dma_wait3A_374 = arith.constant 0 : i32
          %dma_wait3A_375 = arith.constant 0 : i32
          %dma_wait3A_376 = tpu.memref_slice %arg5[%add3A_370, %dma_wait3A_374, %dma_wait3A_375] : memref<6400x128x64xf32, #tpu.memory_space<hbm>> -> memref<4x128x64xf32, #tpu.memory_space<hbm>>
          tpu.wait_dma2 semaphore(%arg12 : memref<!tpu.dma_semaphore, #tpu.memory_space<semaphore_mem>>) src(%arg8 : memref<4x128x64xf32, #tpu.memory_space<vmem>>) dst(%dma_wait3A_376 : memref<4x128x64xf32, #tpu.memory_space<hbm>>)
        } else {
        }
        %add3A_300 = arith.constant 1 : i32
        %add3A_301 = arith.addi %add3A_216, %add3A_300 : i32
        %mul3A_302 = arith.constant 4 : i32
        %mul3A_303 = arith.muli %add3A_301, %mul3A_302 : i32
        %add3A_304 = arith.constant 0 : i32
        %add3A_305 = arith.addi %mul3A_303, %add3A_304 : i32
        %dma_start3A_306 = arith.constant 0 : i32
        %dma_start3A_307 = arith.constant 0 : i32
        %dma_start3A_308 = arith.constant 0 : i32
        %dma_start3A_309 = tpu.memref_slice %arg8[%dma_start3A_306, %dma_start3A_307, %dma_start3A_308] : memref<4x128x64xf32, #tpu.memory_space<vmem>> -> memref<1x128x64xf32, #tpu.memory_space<vmem>>
        %dma_start3A_310 = tpu.memref_squeeze %dma_start3A_309 : memref<1x128x64xf32, #tpu.memory_space<vmem>> -> memref<128x64xf32, #tpu.memory_space<vmem>>
        %dma_start3A_311 = arith.constant 0 : i32
        %dma_start3A_312 = tpu.memref_slice %arg7[%add3A_305, %dma_start3A_311] : memref<200x128xi32, #tpu.memory_space<vmem>> -> memref<1x128xi32, #tpu.memory_space<vmem>>
        %dma_start3A_313 = tpu.memref_squeeze %dma_start3A_312 : memref<1x128xi32, #tpu.memory_space<vmem>> -> memref<128xi32, #tpu.memory_space<vmem>>
        %dma_start3A_314 = arith.constant 0 : i32
        %dma_start3A_315 = arith.constant 0 : i32
        %dma_start3A_316 = tpu.memref_slice %arg2[%dma_start3A_314, %dma_start3A_315] : memref<1000000x64xf32, #tpu.memory_space<hbm>> -> memref<1000000x64xf32, #tpu.memory_space<hbm>>
        tpu.enqueue_indirect_dma source(%dma_start3A_316 : memref<1000000x64xf32, #tpu.memory_space<hbm>>) target(%dma_start3A_310 : memref<128x64xf32, #tpu.memory_space<vmem>>) offsets(%dma_start3A_313 : memref<128xi32, #tpu.memory_space<vmem>>) semaphore(%arg10 : memref<!tpu.dma_semaphore, #tpu.memory_space<semaphore_mem>>)
        %add3A_317 = arith.constant 1 : i32
        %add3A_318 = arith.addi %add3A_216, %add3A_317 : i32
        %mul3A_319 = arith.constant 4 : i32
        %mul3A_320 = arith.muli %add3A_318, %mul3A_319 : i32
        %add3A_321 = arith.constant 1 : i32
        %add3A_322 = arith.addi %mul3A_320, %add3A_321 : i32
        %dma_start3A_323 = arith.constant 1 : i32
        %dma_start3A_324 = arith.constant 0 : i32
        %dma_start3A_325 = arith.constant 0 : i32
        %dma_start3A_326 = tpu.memref_slice %arg8[%dma_start3A_323, %dma_start3A_324, %dma_start3A_325] : memref<4x128x64xf32, #tpu.memory_space<vmem>> -> memref<1x128x64xf32, #tpu.memory_space<vmem>>
        %dma_start3A_327 = tpu.memref_squeeze %dma_start3A_326 : memref<1x128x64xf32, #tpu.memory_space<vmem>> -> memref<128x64xf32, #tpu.memory_space<vmem>>
        %dma_start3A_328 = arith.constant 0 : i32
        %dma_start3A_329 = tpu.memref_slice %arg7[%add3A_322, %dma_start3A_328] : memref<200x128xi32, #tpu.memory_space<vmem>> -> memref<1x128xi32, #tpu.memory_space<vmem>>
        %dma_start3A_330 = tpu.memref_squeeze %dma_start3A_329 : memref<1x128xi32, #tpu.memory_space<vmem>> -> memref<128xi32, #tpu.memory_space<vmem>>
        %dma_start3A_331 = arith.constant 0 : i32
        %dma_start3A_332 = arith.constant 0 : i32
        %dma_start3A_333 = tpu.memref_slice %arg2[%dma_start3A_331, %dma_start3A_332] : memref<1000000x64xf32, #tpu.memory_space<hbm>> -> memref<1000000x64xf32, #tpu.memory_space<hbm>>
        tpu.enqueue_indirect_dma source(%dma_start3A_333 : memref<1000000x64xf32, #tpu.memory_space<hbm>>) target(%dma_start3A_327 : memref<128x64xf32, #tpu.memory_space<vmem>>) offsets(%dma_start3A_330 : memref<128xi32, #tpu.memory_space<vmem>>) semaphore(%arg10 : memref<!tpu.dma_semaphore, #tpu.memory_space<semaphore_mem>>)
        %add3A_334 = arith.constant 1 : i32
        %add3A_335 = arith.addi %add3A_216, %add3A_334 : i32
        %mul3A_336 = arith.constant 4 : i32
        %mul3A_337 = arith.muli %add3A_335, %mul3A_336 : i32
        %add3A_338 = arith.constant 2 : i32
        %add3A_339 = arith.addi %mul3A_337, %add3A_338 : i32
        %dma_start3A_340 = arith.constant 2 : i32
        %dma_start3A_341 = arith.constant 0 : i32
        %dma_start3A_342 = arith.constant 0 : i32
        %dma_start3A_343 = tpu.memref_slice %arg8[%dma_start3A_340, %dma_start3A_341, %dma_start3A_342] : memref<4x128x64xf32, #tpu.memory_space<vmem>> -> memref<1x128x64xf32, #tpu.memory_space<vmem>>
        %dma_start3A_344 = tpu.memref_squeeze %dma_start3A_343 : memref<1x128x64xf32, #tpu.memory_space<vmem>> -> memref<128x64xf32, #tpu.memory_space<vmem>>
        %dma_start3A_345 = arith.constant 0 : i32
        %dma_start3A_346 = tpu.memref_slice %arg7[%add3A_339, %dma_start3A_345] : memref<200x128xi32, #tpu.memory_space<vmem>> -> memref<1x128xi32, #tpu.memory_space<vmem>>
        %dma_start3A_347 = tpu.memref_squeeze %dma_start3A_346 : memref<1x128xi32, #tpu.memory_space<vmem>> -> memref<128xi32, #tpu.memory_space<vmem>>
        %dma_start3A_348 = arith.constant 0 : i32
        %dma_start3A_349 = arith.constant 0 : i32
        %dma_start3A_350 = tpu.memref_slice %arg2[%dma_start3A_348, %dma_start3A_349] : memref<1000000x64xf32, #tpu.memory_space<hbm>> -> memref<1000000x64xf32, #tpu.memory_space<hbm>>
        tpu.enqueue_indirect_dma source(%dma_start3A_350 : memref<1000000x64xf32, #tpu.memory_space<hbm>>) target(%dma_start3A_344 : memref<128x64xf32, #tpu.memory_space<vmem>>) offsets(%dma_start3A_347 : memref<128xi32, #tpu.memory_space<vmem>>) semaphore(%arg10 : memref<!tpu.dma_semaphore, #tpu.memory_space<semaphore_mem>>)
        %add3A_351 = arith.constant 1 : i32
        %add3A_352 = arith.addi %add3A_216, %add3A_351 : i32
        %mul3A_353 = arith.constant 4 : i32
        %mul3A_354 = arith.muli %add3A_352, %mul3A_353 : i32
        %add3A_355 = arith.constant 3 : i32
        %add3A_356 = arith.addi %mul3A_354, %add3A_355 : i32
        %dma_start3A_357 = arith.constant 3 : i32
        %dma_start3A_358 = arith.constant 0 : i32
        %dma_start3A_359 = arith.constant 0 : i32
        %dma_start3A_360 = tpu.memref_slice %arg8[%dma_start3A_357, %dma_start3A_358, %dma_start3A_359] : memref<4x128x64xf32, #tpu.memory_space<vmem>> -> memref<1x128x64xf32, #tpu.memory_space<vmem>>
        %dma_start3A_361 = tpu.memref_squeeze %dma_start3A_360 : memref<1x128x64xf32, #tpu.memory_space<vmem>> -> memref<128x64xf32, #tpu.memory_space<vmem>>
        %dma_start3A_362 = arith.constant 0 : i32
        %dma_start3A_363 = tpu.memref_slice %arg7[%add3A_356, %dma_start3A_362] : memref<200x128xi32, #tpu.memory_space<vmem>> -> memref<1x128xi32, #tpu.memory_space<vmem>>
        %dma_start3A_364 = tpu.memref_squeeze %dma_start3A_363 : memref<1x128xi32, #tpu.memory_space<vmem>> -> memref<128xi32, #tpu.memory_space<vmem>>
        %dma_start3A_365 = arith.constant 0 : i32
        %dma_start3A_366 = arith.constant 0 : i32
        %dma_start3A_367 = tpu.memref_slice %arg2[%dma_start3A_365, %dma_start3A_366] : memref<1000000x64xf32, #tpu.memory_space<hbm>> -> memref<1000000x64xf32, #tpu.memory_space<hbm>>
        tpu.enqueue_indirect_dma source(%dma_start3A_367 : memref<1000000x64xf32, #tpu.memory_space<hbm>>) target(%dma_start3A_361 : memref<128x64xf32, #tpu.memory_space<vmem>>) offsets(%dma_start3A_364 : memref<128xi32, #tpu.memory_space<vmem>>) semaphore(%arg10 : memref<!tpu.dma_semaphore, #tpu.memory_space<semaphore_mem>>)
      } else {
      }
      %mul3A_224 = arith.constant 4 : i32
      %mul3A_225 = arith.muli %add3A_216, %mul3A_224 : i32
      %add3A_226 = arith.constant 0 : i32
      %add3A_227 = arith.addi %mul3A_225, %add3A_226 : i32
      %dma_wait3A_228 = arith.constant 0 : i32
      %dma_wait3A_229 = arith.constant 0 : i32
      %dma_wait3A_230 = arith.constant 0 : i32
      %dma_wait3A_231 = tpu.memref_slice %arg9[%dma_wait3A_228, %dma_wait3A_229, %dma_wait3A_230] : memref<4x128x64xf32, #tpu.memory_space<vmem>> -> memref<1x128x64xf32, #tpu.memory_space<vmem>>
      %dma_wait3A_232 = tpu.memref_squeeze %dma_wait3A_231 : memref<1x128x64xf32, #tpu.memory_space<vmem>> -> memref<128x64xf32, #tpu.memory_space<vmem>>
      %dma_wait3A_233 = arith.constant 0 : i32
      %dma_wait3A_234 = tpu.memref_slice %arg7[%add3A_227, %dma_wait3A_233] : memref<200x128xi32, #tpu.memory_space<vmem>> -> memref<1x128xi32, #tpu.memory_space<vmem>>
      %dma_wait3A_235 = tpu.memref_squeeze %dma_wait3A_234 : memref<1x128xi32, #tpu.memory_space<vmem>> -> memref<128xi32, #tpu.memory_space<vmem>>
      %dma_wait3A_236 = arith.constant 0 : i32
      %dma_wait3A_237 = arith.constant 0 : i32
      %dma_wait3A_238 = tpu.memref_slice %arg2[%dma_wait3A_236, %dma_wait3A_237] : memref<1000000x64xf32, #tpu.memory_space<hbm>> -> memref<1000000x64xf32, #tpu.memory_space<hbm>>
      tpu.wait_indirect_dma semaphore(%arg11 : memref<!tpu.dma_semaphore, #tpu.memory_space<semaphore_mem>>) src(%dma_wait3A_238 : memref<1000000x64xf32, #tpu.memory_space<hbm>>) dst(%dma_wait3A_232 : memref<128x64xf32, #tpu.memory_space<vmem>>)
      %mul3A_239 = arith.constant 4 : i32
      %mul3A_240 = arith.muli %add3A_216, %mul3A_239 : i32
      %add3A_241 = arith.constant 1 : i32
      %add3A_242 = arith.addi %mul3A_240, %add3A_241 : i32
      %dma_wait3A_243 = arith.constant 1 : i32
      %dma_wait3A_244 = arith.constant 0 : i32
      %dma_wait3A_245 = arith.constant 0 : i32
      %dma_wait3A_246 = tpu.memref_slice %arg9[%dma_wait3A_243, %dma_wait3A_244, %dma_wait3A_245] : memref<4x128x64xf32, #tpu.memory_space<vmem>> -> memref<1x128x64xf32, #tpu.memory_space<vmem>>
      %dma_wait3A_247 = tpu.memref_squeeze %dma_wait3A_246 : memref<1x128x64xf32, #tpu.memory_space<vmem>> -> memref<128x64xf32, #tpu.memory_space<vmem>>
      %dma_wait3A_248 = arith.constant 0 : i32
      %dma_wait3A_249 = tpu.memref_slice %arg7[%add3A_242, %dma_wait3A_248] : memref<200x128xi32, #tpu.memory_space<vmem>> -> memref<1x128xi32, #tpu.memory_space<vmem>>
      %dma_wait3A_250 = tpu.memref_squeeze %dma_wait3A_249 : memref<1x128xi32, #tpu.memory_space<vmem>> -> memref<128xi32, #tpu.memory_space<vmem>>
      %dma_wait3A_251 = arith.constant 0 : i32
      %dma_wait3A_252 = arith.constant 0 : i32
      %dma_wait3A_253 = tpu.memref_slice %arg2[%dma_wait3A_251, %dma_wait3A_252] : memref<1000000x64xf32, #tpu.memory_space<hbm>> -> memref<1000000x64xf32, #tpu.memory_space<hbm>>
      tpu.wait_indirect_dma semaphore(%arg11 : memref<!tpu.dma_semaphore, #tpu.memory_space<semaphore_mem>>) src(%dma_wait3A_253 : memref<1000000x64xf32, #tpu.memory_space<hbm>>) dst(%dma_wait3A_247 : memref<128x64xf32, #tpu.memory_space<vmem>>)
      %mul3A_254 = arith.constant 4 : i32
      %mul3A_255 = arith.muli %add3A_216, %mul3A_254 : i32
      %add3A_256 = arith.constant 2 : i32
      %add3A_257 = arith.addi %mul3A_255, %add3A_256 : i32
      %dma_wait3A_258 = arith.constant 2 : i32
      %dma_wait3A_259 = arith.constant 0 : i32
      %dma_wait3A_260 = arith.constant 0 : i32
      %dma_wait3A_261 = tpu.memref_slice %arg9[%dma_wait3A_258, %dma_wait3A_259, %dma_wait3A_260] : memref<4x128x64xf32, #tpu.memory_space<vmem>> -> memref<1x128x64xf32, #tpu.memory_space<vmem>>
      %dma_wait3A_262 = tpu.memref_squeeze %dma_wait3A_261 : memref<1x128x64xf32, #tpu.memory_space<vmem>> -> memref<128x64xf32, #tpu.memory_space<vmem>>
      %dma_wait3A_263 = arith.constant 0 : i32
      %dma_wait3A_264 = tpu.memref_slice %arg7[%add3A_257, %dma_wait3A_263] : memref<200x128xi32, #tpu.memory_space<vmem>> -> memref<1x128xi32, #tpu.memory_space<vmem>>
      %dma_wait3A_265 = tpu.memref_squeeze %dma_wait3A_264 : memref<1x128xi32, #tpu.memory_space<vmem>> -> memref<128xi32, #tpu.memory_space<vmem>>
      %dma_wait3A_266 = arith.constant 0 : i32
      %dma_wait3A_267 = arith.constant 0 : i32
      %dma_wait3A_268 = tpu.memref_slice %arg2[%dma_wait3A_266, %dma_wait3A_267] : memref<1000000x64xf32, #tpu.memory_space<hbm>> -> memref<1000000x64xf32, #tpu.memory_space<hbm>>
      tpu.wait_indirect_dma semaphore(%arg11 : memref<!tpu.dma_semaphore, #tpu.memory_space<semaphore_mem>>) src(%dma_wait3A_268 : memref<1000000x64xf32, #tpu.memory_space<hbm>>) dst(%dma_wait3A_262 : memref<128x64xf32, #tpu.memory_space<vmem>>)
      %mul3A_269 = arith.constant 4 : i32
      %mul3A_270 = arith.muli %add3A_216, %mul3A_269 : i32
      %add3A_271 = arith.constant 3 : i32
      %add3A_272 = arith.addi %mul3A_270, %add3A_271 : i32
      %dma_wait3A_273 = arith.constant 3 : i32
      %dma_wait3A_274 = arith.constant 0 : i32
      %dma_wait3A_275 = arith.constant 0 : i32
      %dma_wait3A_276 = tpu.memref_slice %arg9[%dma_wait3A_273, %dma_wait3A_274, %dma_wait3A_275] : memref<4x128x64xf32, #tpu.memory_space<vmem>> -> memref<1x128x64xf32, #tpu.memory_space<vmem>>
      %dma_wait3A_277 = tpu.memref_squeeze %dma_wait3A_276 : memref<1x128x64xf32, #tpu.memory_space<vmem>> -> memref<128x64xf32, #tpu.memory_space<vmem>>
      %dma_wait3A_278 = arith.constant 0 : i32
      %dma_wait3A_279 = tpu.memref_slice %arg7[%add3A_272, %dma_wait3A_278] : memref<200x128xi32, #tpu.memory_space<vmem>> -> memref<1x128xi32, #tpu.memory_space<vmem>>
      %dma_wait3A_280 = tpu.memref_squeeze %dma_wait3A_279 : memref<1x128xi32, #tpu.memory_space<vmem>> -> memref<128xi32, #tpu.memory_space<vmem>>
      %dma_wait3A_281 = arith.constant 0 : i32
      %dma_wait3A_282 = arith.constant 0 : i32
      %dma_wait3A_283 = tpu.memref_slice %arg2[%dma_wait3A_281, %dma_wait3A_282] : memref<1000000x64xf32, #tpu.memory_space<hbm>> -> memref<1000000x64xf32, #tpu.memory_space<hbm>>
      tpu.wait_indirect_dma semaphore(%arg11 : memref<!tpu.dma_semaphore, #tpu.memory_space<semaphore_mem>>) src(%dma_wait3A_283 : memref<1000000x64xf32, #tpu.memory_space<hbm>>) dst(%dma_wait3A_277 : memref<128x64xf32, #tpu.memory_space<vmem>>)
      %mul3A_284 = arith.constant 4 : i32
      %mul3A_285 = arith.muli %add3A_216, %mul3A_284 : i32
      %add3A_286 = arith.addi %mul3A_2, %mul3A_285 : i32
      %dma_start3A_287 = arith.constant 0 : i32
      %dma_start3A_288 = arith.constant 0 : i32
      %dma_start3A_289 = tpu.memref_slice %arg5[%add3A_286, %dma_start3A_287, %dma_start3A_288] : memref<6400x128x64xf32, #tpu.memory_space<hbm>> -> memref<4x128x64xf32, #tpu.memory_space<hbm>>
      %dma_start3A_290 = arith.constant 0 : i32
      %dma_start3A_291 = arith.constant 0 : i32
      %dma_start3A_292 = tpu.memref_slice %arg5[%add3A_286, %dma_start3A_290, %dma_start3A_291] : memref<6400x128x64xf32, #tpu.memory_space<hbm>> -> memref<4x128x64xf32, #tpu.memory_space<hbm>>
      tpu.enqueue_dma source(%arg9 : memref<4x128x64xf32, #tpu.memory_space<vmem>>) target(%dma_start3A_292 : memref<4x128x64xf32, #tpu.memory_space<hbm>>) target_semaphore(%arg13 : memref<!tpu.dma_semaphore, #tpu.memory_space<semaphore_mem>>)
      %scan3A_293 = arith.constant 0 : i32
      scf.yield %scan3A_293 : i32
    }
    %scan3A_55 = arith.constant 25 : i32
    %dma_wait3A = arith.constant 0 : i32
    %dma_wait3A_56 = arith.constant 0 : i32
    %dma_wait3A_57 = tpu.memref_slice %arg5[%mul3A_2, %dma_wait3A, %dma_wait3A_56] : memref<6400x128x64xf32, #tpu.memory_space<hbm>> -> memref<4x128x64xf32, #tpu.memory_space<hbm>>
    %dma_wait3A_58 = arith.constant 0 : i32
    %dma_wait3A_59 = arith.constant 0 : i32
    %dma_wait3A_60 = tpu.memref_slice %arg5[%mul3A_2, %dma_wait3A_58, %dma_wait3A_59] : memref<6400x128x64xf32, #tpu.memory_space<hbm>> -> memref<4x128x64xf32, #tpu.memory_space<hbm>>
    tpu.wait_dma2 semaphore(%arg12 : memref<!tpu.dma_semaphore, #tpu.memory_space<semaphore_mem>>) src(%arg8 : memref<4x128x64xf32, #tpu.memory_space<vmem>>) dst(%dma_wait3A_60 : memref<4x128x64xf32, #tpu.memory_space<hbm>>)
    %dma_wait3A_61 = arith.constant 0 : i32
    %dma_wait3A_62 = arith.constant 0 : i32
    %dma_wait3A_63 = tpu.memref_slice %arg5[%mul3A_2, %dma_wait3A_61, %dma_wait3A_62] : memref<6400x128x64xf32, #tpu.memory_space<hbm>> -> memref<4x128x64xf32, #tpu.memory_space<hbm>>
    %dma_wait3A_64 = arith.constant 0 : i32
    %dma_wait3A_65 = arith.constant 0 : i32
    %dma_wait3A_66 = tpu.memref_slice %arg5[%mul3A_2, %dma_wait3A_64, %dma_wait3A_65] : memref<6400x128x64xf32, #tpu.memory_space<hbm>> -> memref<4x128x64xf32, #tpu.memory_space<hbm>>
    tpu.wait_dma2 semaphore(%arg13 : memref<!tpu.dma_semaphore, #tpu.memory_space<semaphore_mem>>) src(%arg9 : memref<4x128x64xf32, #tpu.memory_space<vmem>>) dst(%dma_wait3A_66 : memref<4x128x64xf32, #tpu.memory_space<hbm>>)
    "tpu.region"() ({
      %run_scoped3A = tpu.sem_alloc : memref<!tpu.dma_semaphore, #tpu.memory_space<semaphore_mem>>
      %dma_start3A_134 = arith.constant 0 : i32
      %dma_start3A_135 = tpu.memref_slice %arg4[%mul3A_2, %dma_start3A_134] : memref<6400x128xi32, #tpu.memory_space<hbm>> -> memref<200x128xi32, #tpu.memory_space<hbm>>
      %dma_start3A_136 = arith.constant 0 : i32
      %dma_start3A_137 = tpu.memref_slice %arg4[%mul3A_2, %dma_start3A_136] : memref<6400x128xi32, #tpu.memory_space<hbm>> -> memref<200x128xi32, #tpu.memory_space<hbm>>
      tpu.enqueue_dma source(%dma_start3A_137 : memref<200x128xi32, #tpu.memory_space<hbm>>) target(%arg7 : memref<200x128xi32, #tpu.memory_space<vmem>>) target_semaphore(%run_scoped3A : memref<!tpu.dma_semaphore, #tpu.memory_space<semaphore_mem>>)
      %dma_wait3A_138 = arith.constant 0 : i32
      %dma_wait3A_139 = tpu.memref_slice %arg4[%mul3A_2, %dma_wait3A_138] : memref<6400x128xi32, #tpu.memory_space<hbm>> -> memref<200x128xi32, #tpu.memory_space<hbm>>
      %dma_wait3A_140 = arith.constant 0 : i32
      %dma_wait3A_141 = tpu.memref_slice %arg4[%mul3A_2, %dma_wait3A_140] : memref<6400x128xi32, #tpu.memory_space<hbm>> -> memref<200x128xi32, #tpu.memory_space<hbm>>
      tpu.wait_dma2 semaphore(%run_scoped3A : memref<!tpu.dma_semaphore, #tpu.memory_space<semaphore_mem>>) src(%dma_wait3A_141 : memref<200x128xi32, #tpu.memory_space<hbm>>) dst(%arg7 : memref<200x128xi32, #tpu.memory_space<vmem>>)
      tpu.yield
    }) : () -> ()
    %dma_start3A_67 = arith.constant 0 : i32
    %dma_start3A_68 = arith.constant 0 : i32
    %dma_start3A_69 = arith.constant 0 : i32
    %dma_start3A_70 = arith.constant 0 : i32
    %dma_start3A_71 = tpu.memref_slice %arg8[%dma_start3A_68, %dma_start3A_69, %dma_start3A_70] : memref<4x128x64xf32, #tpu.memory_space<vmem>> -> memref<1x128x64xf32, #tpu.memory_space<vmem>>
    %dma_start3A_72 = tpu.memref_squeeze %dma_start3A_71 : memref<1x128x64xf32, #tpu.memory_space<vmem>> -> memref<128x64xf32, #tpu.memory_space<vmem>>
    %dma_start3A_73 = arith.constant 0 : i32
    %dma_start3A_74 = tpu.memref_slice %arg7[%dma_start3A_67, %dma_start3A_73] : memref<200x128xi32, #tpu.memory_space<vmem>> -> memref<1x128xi32, #tpu.memory_space<vmem>>
    %dma_start3A_75 = tpu.memref_squeeze %dma_start3A_74 : memref<1x128xi32, #tpu.memory_space<vmem>> -> memref<128xi32, #tpu.memory_space<vmem>>
    %dma_start3A_76 = arith.constant 0 : i32
    %dma_start3A_77 = arith.constant 0 : i32
    %dma_start3A_78 = tpu.memref_slice %arg2[%dma_start3A_76, %dma_start3A_77] : memref<1000000x64xf32, #tpu.memory_space<hbm>> -> memref<1000000x64xf32, #tpu.memory_space<hbm>>
    tpu.enqueue_indirect_dma source(%dma_start3A_78 : memref<1000000x64xf32, #tpu.memory_space<hbm>>) target(%dma_start3A_72 : memref<128x64xf32, #tpu.memory_space<vmem>>) offsets(%dma_start3A_75 : memref<128xi32, #tpu.memory_space<vmem>>) semaphore(%arg10 : memref<!tpu.dma_semaphore, #tpu.memory_space<semaphore_mem>>)
    %dma_start3A_79 = arith.constant 1 : i32
    %dma_start3A_80 = arith.constant 1 : i32
    %dma_start3A_81 = arith.constant 0 : i32
    %dma_start3A_82 = arith.constant 0 : i32
    %dma_start3A_83 = tpu.memref_slice %arg8[%dma_start3A_80, %dma_start3A_81, %dma_start3A_82] : memref<4x128x64xf32, #tpu.memory_space<vmem>> -> memref<1x128x64xf32, #tpu.memory_space<vmem>>
    %dma_start3A_84 = tpu.memref_squeeze %dma_start3A_83 : memref<1x128x64xf32, #tpu.memory_space<vmem>> -> memref<128x64xf32, #tpu.memory_space<vmem>>
    %dma_start3A_85 = arith.constant 0 : i32
    %dma_start3A_86 = tpu.memref_slice %arg7[%dma_start3A_79, %dma_start3A_85] : memref<200x128xi32, #tpu.memory_space<vmem>> -> memref<1x128xi32, #tpu.memory_space<vmem>>
    %dma_start3A_87 = tpu.memref_squeeze %dma_start3A_86 : memref<1x128xi32, #tpu.memory_space<vmem>> -> memref<128xi32, #tpu.memory_space<vmem>>
    %dma_start3A_88 = arith.constant 0 : i32
    %dma_start3A_89 = arith.constant 0 : i32
    %dma_start3A_90 = tpu.memref_slice %arg2[%dma_start3A_88, %dma_start3A_89] : memref<1000000x64xf32, #tpu.memory_space<hbm>> -> memref<1000000x64xf32, #tpu.memory_space<hbm>>
    tpu.enqueue_indirect_dma source(%dma_start3A_90 : memref<1000000x64xf32, #tpu.memory_space<hbm>>) target(%dma_start3A_84 : memref<128x64xf32, #tpu.memory_space<vmem>>) offsets(%dma_start3A_87 : memref<128xi32, #tpu.memory_space<vmem>>) semaphore(%arg10 : memref<!tpu.dma_semaphore, #tpu.memory_space<semaphore_mem>>)
    %dma_start3A_91 = arith.constant 2 : i32
    %dma_start3A_92 = arith.constant 2 : i32
    %dma_start3A_93 = arith.constant 0 : i32
    %dma_start3A_94 = arith.constant 0 : i32
    %dma_start3A_95 = tpu.memref_slice %arg8[%dma_start3A_92, %dma_start3A_93, %dma_start3A_94] : memref<4x128x64xf32, #tpu.memory_space<vmem>> -> memref<1x128x64xf32, #tpu.memory_space<vmem>>
    %dma_start3A_96 = tpu.memref_squeeze %dma_start3A_95 : memref<1x128x64xf32, #tpu.memory_space<vmem>> -> memref<128x64xf32, #tpu.memory_space<vmem>>
    %dma_start3A_97 = arith.constant 0 : i32
    %dma_start3A_98 = tpu.memref_slice %arg7[%dma_start3A_91, %dma_start3A_97] : memref<200x128xi32, #tpu.memory_space<vmem>> -> memref<1x128xi32, #tpu.memory_space<vmem>>
    %dma_start3A_99 = tpu.memref_squeeze %dma_start3A_98 : memref<1x128xi32, #tpu.memory_space<vmem>> -> memref<128xi32, #tpu.memory_space<vmem>>
    %dma_start3A_100 = arith.constant 0 : i32
    %dma_start3A_101 = arith.constant 0 : i32
    %dma_start3A_102 = tpu.memref_slice %arg2[%dma_start3A_100, %dma_start3A_101] : memref<1000000x64xf32, #tpu.memory_space<hbm>> -> memref<1000000x64xf32, #tpu.memory_space<hbm>>
    tpu.enqueue_indirect_dma source(%dma_start3A_102 : memref<1000000x64xf32, #tpu.memory_space<hbm>>) target(%dma_start3A_96 : memref<128x64xf32, #tpu.memory_space<vmem>>) offsets(%dma_start3A_99 : memref<128xi32, #tpu.memory_space<vmem>>) semaphore(%arg10 : memref<!tpu.dma_semaphore, #tpu.memory_space<semaphore_mem>>)
    %dma_start3A_103 = arith.constant 3 : i32
    %dma_start3A_104 = arith.constant 3 : i32
    %dma_start3A_105 = arith.constant 0 : i32
    %dma_start3A_106 = arith.constant 0 : i32
    %dma_start3A_107 = tpu.memref_slice %arg8[%dma_start3A_104, %dma_start3A_105, %dma_start3A_106] : memref<4x128x64xf32, #tpu.memory_space<vmem>> -> memref<1x128x64xf32, #tpu.memory_space<vmem>>
    %dma_start3A_108 = tpu.memref_squeeze %dma_start3A_107 : memref<1x128x64xf32, #tpu.memory_space<vmem>> -> memref<128x64xf32, #tpu.memory_space<vmem>>
    %dma_start3A_109 = arith.constant 0 : i32
    %dma_start3A_110 = tpu.memref_slice %arg7[%dma_start3A_103, %dma_start3A_109] : memref<200x128xi32, #tpu.memory_space<vmem>> -> memref<1x128xi32, #tpu.memory_space<vmem>>
    %dma_start3A_111 = tpu.memref_squeeze %dma_start3A_110 : memref<1x128xi32, #tpu.memory_space<vmem>> -> memref<128xi32, #tpu.memory_space<vmem>>
    %dma_start3A_112 = arith.constant 0 : i32
    %dma_start3A_113 = arith.constant 0 : i32
    %dma_start3A_114 = tpu.memref_slice %arg2[%dma_start3A_112, %dma_start3A_113] : memref<1000000x64xf32, #tpu.memory_space<hbm>> -> memref<1000000x64xf32, #tpu.memory_space<hbm>>
    tpu.enqueue_indirect_dma source(%dma_start3A_114 : memref<1000000x64xf32, #tpu.memory_space<hbm>>) target(%dma_start3A_108 : memref<128x64xf32, #tpu.memory_space<vmem>>) offsets(%dma_start3A_111 : memref<128xi32, #tpu.memory_space<vmem>>) semaphore(%arg10 : memref<!tpu.dma_semaphore, #tpu.memory_space<semaphore_mem>>)
    %scan3A_115 = arith.constant 0 : i32
    %scan3A_116 = arith.constant 0 : i32
    %scan3A_117 = arith.constant 25 : i32
    %scan3A_118 = arith.addi %scan3A_116, %scan3A_117 : i32
    %scan3A_119 = arith.constant 1 : i32
    %scan3A_120 = scf.for %scan3A_134 = %scan3A_116 to %scan3A_118 step %scan3A_119 iter_args(%scan3A_135 = %scan3A_115) -> (i32)  : i32 {
      %mul3A_136 = arith.constant 2 : i32
      %mul3A_137 = arith.muli %scan3A_134, %mul3A_136 : i32
      %add3A_138 = arith.constant 0 : i32
      %add3A_139 = arith.addi %mul3A_137, %add3A_138 : i32
      %add3A_140 = arith.constant 1 : i32
      %add3A_141 = arith.addi %add3A_139, %add3A_140 : i32
      %lt3A = arith.constant 50 : i32
      %lt3A_142 = arith.cmpi slt, %add3A_141, %lt3A : i32
      %convert_element_type3A = arith.extui %lt3A_142 : i1 to i32
      %cond3A = arith.constant 0 : i32
      %cond3A_143 = arith.cmpi ne, %convert_element_type3A, %cond3A : i32
      scf.if %cond3A_143 {
        %add3A_294 = arith.constant 1 : i32
        %add3A_295 = arith.addi %add3A_139, %add3A_294 : i32
        %ge3A = arith.constant 2 : i32
        %ge3A_296 = arith.cmpi sge, %add3A_295, %ge3A : i32
        %convert_element_type3A_297 = arith.extui %ge3A_296 : i1 to i32
        %cond3A_298 = arith.constant 0 : i32
        %cond3A_299 = arith.cmpi ne, %convert_element_type3A_297, %cond3A_298 : i32
        scf.if %cond3A_299 {
          %mul3A_368 = arith.constant 4 : i32
          %mul3A_369 = arith.muli %add3A_139, %mul3A_368 : i32
          %add3A_370 = arith.addi %mul3A_2, %mul3A_369 : i32
          %dma_wait3A_371 = arith.constant 0 : i32
          %dma_wait3A_372 = arith.constant 0 : i32
          %dma_wait3A_373 = tpu.memref_slice %arg6[%add3A_370, %dma_wait3A_371, %dma_wait3A_372] : memref<6400x128x64xf32, #tpu.memory_space<hbm>> -> memref<4x128x64xf32, #tpu.memory_space<hbm>>
          %dma_wait3A_374 = arith.constant 0 : i32
          %dma_wait3A_375 = arith.constant 0 : i32
          %dma_wait3A_376 = tpu.memref_slice %arg6[%add3A_370, %dma_wait3A_374, %dma_wait3A_375] : memref<6400x128x64xf32, #tpu.memory_space<hbm>> -> memref<4x128x64xf32, #tpu.memory_space<hbm>>
          tpu.wait_dma2 semaphore(%arg13 : memref<!tpu.dma_semaphore, #tpu.memory_space<semaphore_mem>>) src(%arg9 : memref<4x128x64xf32, #tpu.memory_space<vmem>>) dst(%dma_wait3A_376 : memref<4x128x64xf32, #tpu.memory_space<hbm>>)
        } else {
        }
        %add3A_300 = arith.constant 1 : i32
        %add3A_301 = arith.addi %add3A_139, %add3A_300 : i32
        %mul3A_302 = arith.constant 4 : i32
        %mul3A_303 = arith.muli %add3A_301, %mul3A_302 : i32
        %add3A_304 = arith.constant 0 : i32
        %add3A_305 = arith.addi %mul3A_303, %add3A_304 : i32
        %dma_start3A_306 = arith.constant 0 : i32
        %dma_start3A_307 = arith.constant 0 : i32
        %dma_start3A_308 = arith.constant 0 : i32
        %dma_start3A_309 = tpu.memref_slice %arg9[%dma_start3A_306, %dma_start3A_307, %dma_start3A_308] : memref<4x128x64xf32, #tpu.memory_space<vmem>> -> memref<1x128x64xf32, #tpu.memory_space<vmem>>
        %dma_start3A_310 = tpu.memref_squeeze %dma_start3A_309 : memref<1x128x64xf32, #tpu.memory_space<vmem>> -> memref<128x64xf32, #tpu.memory_space<vmem>>
        %dma_start3A_311 = arith.constant 0 : i32
        %dma_start3A_312 = tpu.memref_slice %arg7[%add3A_305, %dma_start3A_311] : memref<200x128xi32, #tpu.memory_space<vmem>> -> memref<1x128xi32, #tpu.memory_space<vmem>>
        %dma_start3A_313 = tpu.memref_squeeze %dma_start3A_312 : memref<1x128xi32, #tpu.memory_space<vmem>> -> memref<128xi32, #tpu.memory_space<vmem>>
        %dma_start3A_314 = arith.constant 0 : i32
        %dma_start3A_315 = arith.constant 0 : i32
        %dma_start3A_316 = tpu.memref_slice %arg2[%dma_start3A_314, %dma_start3A_315] : memref<1000000x64xf32, #tpu.memory_space<hbm>> -> memref<1000000x64xf32, #tpu.memory_space<hbm>>
        tpu.enqueue_indirect_dma source(%dma_start3A_316 : memref<1000000x64xf32, #tpu.memory_space<hbm>>) target(%dma_start3A_310 : memref<128x64xf32, #tpu.memory_space<vmem>>) offsets(%dma_start3A_313 : memref<128xi32, #tpu.memory_space<vmem>>) semaphore(%arg11 : memref<!tpu.dma_semaphore, #tpu.memory_space<semaphore_mem>>)
        %add3A_317 = arith.constant 1 : i32
        %add3A_318 = arith.addi %add3A_139, %add3A_317 : i32
        %mul3A_319 = arith.constant 4 : i32
        %mul3A_320 = arith.muli %add3A_318, %mul3A_319 : i32
        %add3A_321 = arith.constant 1 : i32
        %add3A_322 = arith.addi %mul3A_320, %add3A_321 : i32
        %dma_start3A_323 = arith.constant 1 : i32
        %dma_start3A_324 = arith.constant 0 : i32
        %dma_start3A_325 = arith.constant 0 : i32
        %dma_start3A_326 = tpu.memref_slice %arg9[%dma_start3A_323, %dma_start3A_324, %dma_start3A_325] : memref<4x128x64xf32, #tpu.memory_space<vmem>> -> memref<1x128x64xf32, #tpu.memory_space<vmem>>
        %dma_start3A_327 = tpu.memref_squeeze %dma_start3A_326 : memref<1x128x64xf32, #tpu.memory_space<vmem>> -> memref<128x64xf32, #tpu.memory_space<vmem>>
        %dma_start3A_328 = arith.constant 0 : i32
        %dma_start3A_329 = tpu.memref_slice %arg7[%add3A_322, %dma_start3A_328] : memref<200x128xi32, #tpu.memory_space<vmem>> -> memref<1x128xi32, #tpu.memory_space<vmem>>
        %dma_start3A_330 = tpu.memref_squeeze %dma_start3A_329 : memref<1x128xi32, #tpu.memory_space<vmem>> -> memref<128xi32, #tpu.memory_space<vmem>>
        %dma_start3A_331 = arith.constant 0 : i32
        %dma_start3A_332 = arith.constant 0 : i32
        %dma_start3A_333 = tpu.memref_slice %arg2[%dma_start3A_331, %dma_start3A_332] : memref<1000000x64xf32, #tpu.memory_space<hbm>> -> memref<1000000x64xf32, #tpu.memory_space<hbm>>
        tpu.enqueue_indirect_dma source(%dma_start3A_333 : memref<1000000x64xf32, #tpu.memory_space<hbm>>) target(%dma_start3A_327 : memref<128x64xf32, #tpu.memory_space<vmem>>) offsets(%dma_start3A_330 : memref<128xi32, #tpu.memory_space<vmem>>) semaphore(%arg11 : memref<!tpu.dma_semaphore, #tpu.memory_space<semaphore_mem>>)
        %add3A_334 = arith.constant 1 : i32
        %add3A_335 = arith.addi %add3A_139, %add3A_334 : i32
        %mul3A_336 = arith.constant 4 : i32
        %mul3A_337 = arith.muli %add3A_335, %mul3A_336 : i32
        %add3A_338 = arith.constant 2 : i32
        %add3A_339 = arith.addi %mul3A_337, %add3A_338 : i32
        %dma_start3A_340 = arith.constant 2 : i32
        %dma_start3A_341 = arith.constant 0 : i32
        %dma_start3A_342 = arith.constant 0 : i32
        %dma_start3A_343 = tpu.memref_slice %arg9[%dma_start3A_340, %dma_start3A_341, %dma_start3A_342] : memref<4x128x64xf32, #tpu.memory_space<vmem>> -> memref<1x128x64xf32, #tpu.memory_space<vmem>>
        %dma_start3A_344 = tpu.memref_squeeze %dma_start3A_343 : memref<1x128x64xf32, #tpu.memory_space<vmem>> -> memref<128x64xf32, #tpu.memory_space<vmem>>
        %dma_start3A_345 = arith.constant 0 : i32
        %dma_start3A_346 = tpu.memref_slice %arg7[%add3A_339, %dma_start3A_345] : memref<200x128xi32, #tpu.memory_space<vmem>> -> memref<1x128xi32, #tpu.memory_space<vmem>>
        %dma_start3A_347 = tpu.memref_squeeze %dma_start3A_346 : memref<1x128xi32, #tpu.memory_space<vmem>> -> memref<128xi32, #tpu.memory_space<vmem>>
        %dma_start3A_348 = arith.constant 0 : i32
        %dma_start3A_349 = arith.constant 0 : i32
        %dma_start3A_350 = tpu.memref_slice %arg2[%dma_start3A_348, %dma_start3A_349] : memref<1000000x64xf32, #tpu.memory_space<hbm>> -> memref<1000000x64xf32, #tpu.memory_space<hbm>>
        tpu.enqueue_indirect_dma source(%dma_start3A_350 : memref<1000000x64xf32, #tpu.memory_space<hbm>>) target(%dma_start3A_344 : memref<128x64xf32, #tpu.memory_space<vmem>>) offsets(%dma_start3A_347 : memref<128xi32, #tpu.memory_space<vmem>>) semaphore(%arg11 : memref<!tpu.dma_semaphore, #tpu.memory_space<semaphore_mem>>)
        %add3A_351 = arith.constant 1 : i32
        %add3A_352 = arith.addi %add3A_139, %add3A_351 : i32
        %mul3A_353 = arith.constant 4 : i32
        %mul3A_354 = arith.muli %add3A_352, %mul3A_353 : i32
        %add3A_355 = arith.constant 3 : i32
        %add3A_356 = arith.addi %mul3A_354, %add3A_355 : i32
        %dma_start3A_357 = arith.constant 3 : i32
        %dma_start3A_358 = arith.constant 0 : i32
        %dma_start3A_359 = arith.constant 0 : i32
        %dma_start3A_360 = tpu.memref_slice %arg9[%dma_start3A_357, %dma_start3A_358, %dma_start3A_359] : memref<4x128x64xf32, #tpu.memory_space<vmem>> -> memref<1x128x64xf32, #tpu.memory_space<vmem>>
        %dma_start3A_361 = tpu.memref_squeeze %dma_start3A_360 : memref<1x128x64xf32, #tpu.memory_space<vmem>> -> memref<128x64xf32, #tpu.memory_space<vmem>>
        %dma_start3A_362 = arith.constant 0 : i32
        %dma_start3A_363 = tpu.memref_slice %arg7[%add3A_356, %dma_start3A_362] : memref<200x128xi32, #tpu.memory_space<vmem>> -> memref<1x128xi32, #tpu.memory_space<vmem>>
        %dma_start3A_364 = tpu.memref_squeeze %dma_start3A_363 : memref<1x128xi32, #tpu.memory_space<vmem>> -> memref<128xi32, #tpu.memory_space<vmem>>
        %dma_start3A_365 = arith.constant 0 : i32
        %dma_start3A_366 = arith.constant 0 : i32
        %dma_start3A_367 = tpu.memref_slice %arg2[%dma_start3A_365, %dma_start3A_366] : memref<1000000x64xf32, #tpu.memory_space<hbm>> -> memref<1000000x64xf32, #tpu.memory_space<hbm>>
        tpu.enqueue_indirect_dma source(%dma_start3A_367 : memref<1000000x64xf32, #tpu.memory_space<hbm>>) target(%dma_start3A_361 : memref<128x64xf32, #tpu.memory_space<vmem>>) offsets(%dma_start3A_364 : memref<128xi32, #tpu.memory_space<vmem>>) semaphore(%arg11 : memref<!tpu.dma_semaphore, #tpu.memory_space<semaphore_mem>>)
      } else {
      }
      %mul3A_144 = arith.constant 4 : i32
      %mul3A_145 = arith.muli %add3A_139, %mul3A_144 : i32
      %add3A_146 = arith.constant 0 : i32
      %add3A_147 = arith.addi %mul3A_145, %add3A_146 : i32
      %dma_wait3A_148 = arith.constant 0 : i32
      %dma_wait3A_149 = arith.constant 0 : i32
      %dma_wait3A_150 = arith.constant 0 : i32
      %dma_wait3A_151 = tpu.memref_slice %arg8[%dma_wait3A_148, %dma_wait3A_149, %dma_wait3A_150] : memref<4x128x64xf32, #tpu.memory_space<vmem>> -> memref<1x128x64xf32, #tpu.memory_space<vmem>>
      %dma_wait3A_152 = tpu.memref_squeeze %dma_wait3A_151 : memref<1x128x64xf32, #tpu.memory_space<vmem>> -> memref<128x64xf32, #tpu.memory_space<vmem>>
      %dma_wait3A_153 = arith.constant 0 : i32
      %dma_wait3A_154 = tpu.memref_slice %arg7[%add3A_147, %dma_wait3A_153] : memref<200x128xi32, #tpu.memory_space<vmem>> -> memref<1x128xi32, #tpu.memory_space<vmem>>
      %dma_wait3A_155 = tpu.memref_squeeze %dma_wait3A_154 : memref<1x128xi32, #tpu.memory_space<vmem>> -> memref<128xi32, #tpu.memory_space<vmem>>
      %dma_wait3A_156 = arith.constant 0 : i32
      %dma_wait3A_157 = arith.constant 0 : i32
      %dma_wait3A_158 = tpu.memref_slice %arg2[%dma_wait3A_156, %dma_wait3A_157] : memref<1000000x64xf32, #tpu.memory_space<hbm>> -> memref<1000000x64xf32, #tpu.memory_space<hbm>>
      tpu.wait_indirect_dma semaphore(%arg10 : memref<!tpu.dma_semaphore, #tpu.memory_space<semaphore_mem>>) src(%dma_wait3A_158 : memref<1000000x64xf32, #tpu.memory_space<hbm>>) dst(%dma_wait3A_152 : memref<128x64xf32, #tpu.memory_space<vmem>>)
      %mul3A_159 = arith.constant 4 : i32
      %mul3A_160 = arith.muli %add3A_139, %mul3A_159 : i32
      %add3A_161 = arith.constant 1 : i32
      %add3A_162 = arith.addi %mul3A_160, %add3A_161 : i32
      %dma_wait3A_163 = arith.constant 1 : i32
      %dma_wait3A_164 = arith.constant 0 : i32
      %dma_wait3A_165 = arith.constant 0 : i32
      %dma_wait3A_166 = tpu.memref_slice %arg8[%dma_wait3A_163, %dma_wait3A_164, %dma_wait3A_165] : memref<4x128x64xf32, #tpu.memory_space<vmem>> -> memref<1x128x64xf32, #tpu.memory_space<vmem>>
      %dma_wait3A_167 = tpu.memref_squeeze %dma_wait3A_166 : memref<1x128x64xf32, #tpu.memory_space<vmem>> -> memref<128x64xf32, #tpu.memory_space<vmem>>
      %dma_wait3A_168 = arith.constant 0 : i32
      %dma_wait3A_169 = tpu.memref_slice %arg7[%add3A_162, %dma_wait3A_168] : memref<200x128xi32, #tpu.memory_space<vmem>> -> memref<1x128xi32, #tpu.memory_space<vmem>>
      %dma_wait3A_170 = tpu.memref_squeeze %dma_wait3A_169 : memref<1x128xi32, #tpu.memory_space<vmem>> -> memref<128xi32, #tpu.memory_space<vmem>>
      %dma_wait3A_171 = arith.constant 0 : i32
      %dma_wait3A_172 = arith.constant 0 : i32
      %dma_wait3A_173 = tpu.memref_slice %arg2[%dma_wait3A_171, %dma_wait3A_172] : memref<1000000x64xf32, #tpu.memory_space<hbm>> -> memref<1000000x64xf32, #tpu.memory_space<hbm>>
      tpu.wait_indirect_dma semaphore(%arg10 : memref<!tpu.dma_semaphore, #tpu.memory_space<semaphore_mem>>) src(%dma_wait3A_173 : memref<1000000x64xf32, #tpu.memory_space<hbm>>) dst(%dma_wait3A_167 : memref<128x64xf32, #tpu.memory_space<vmem>>)
      %mul3A_174 = arith.constant 4 : i32
      %mul3A_175 = arith.muli %add3A_139, %mul3A_174 : i32
      %add3A_176 = arith.constant 2 : i32
      %add3A_177 = arith.addi %mul3A_175, %add3A_176 : i32
      %dma_wait3A_178 = arith.constant 2 : i32
      %dma_wait3A_179 = arith.constant 0 : i32
      %dma_wait3A_180 = arith.constant 0 : i32
      %dma_wait3A_181 = tpu.memref_slice %arg8[%dma_wait3A_178, %dma_wait3A_179, %dma_wait3A_180] : memref<4x128x64xf32, #tpu.memory_space<vmem>> -> memref<1x128x64xf32, #tpu.memory_space<vmem>>
      %dma_wait3A_182 = tpu.memref_squeeze %dma_wait3A_181 : memref<1x128x64xf32, #tpu.memory_space<vmem>> -> memref<128x64xf32, #tpu.memory_space<vmem>>
      %dma_wait3A_183 = arith.constant 0 : i32
      %dma_wait3A_184 = tpu.memref_slice %arg7[%add3A_177, %dma_wait3A_183] : memref<200x128xi32, #tpu.memory_space<vmem>> -> memref<1x128xi32, #tpu.memory_space<vmem>>
      %dma_wait3A_185 = tpu.memref_squeeze %dma_wait3A_184 : memref<1x128xi32, #tpu.memory_space<vmem>> -> memref<128xi32, #tpu.memory_space<vmem>>
      %dma_wait3A_186 = arith.constant 0 : i32
      %dma_wait3A_187 = arith.constant 0 : i32
      %dma_wait3A_188 = tpu.memref_slice %arg2[%dma_wait3A_186, %dma_wait3A_187] : memref<1000000x64xf32, #tpu.memory_space<hbm>> -> memref<1000000x64xf32, #tpu.memory_space<hbm>>
      tpu.wait_indirect_dma semaphore(%arg10 : memref<!tpu.dma_semaphore, #tpu.memory_space<semaphore_mem>>) src(%dma_wait3A_188 : memref<1000000x64xf32, #tpu.memory_space<hbm>>) dst(%dma_wait3A_182 : memref<128x64xf32, #tpu.memory_space<vmem>>)
      %mul3A_189 = arith.constant 4 : i32
      %mul3A_190 = arith.muli %add3A_139, %mul3A_189 : i32
      %add3A_191 = arith.constant 3 : i32
      %add3A_192 = arith.addi %mul3A_190, %add3A_191 : i32
      %dma_wait3A_193 = arith.constant 3 : i32
      %dma_wait3A_194 = arith.constant 0 : i32
      %dma_wait3A_195 = arith.constant 0 : i32
      %dma_wait3A_196 = tpu.memref_slice %arg8[%dma_wait3A_193, %dma_wait3A_194, %dma_wait3A_195] : memref<4x128x64xf32, #tpu.memory_space<vmem>> -> memref<1x128x64xf32, #tpu.memory_space<vmem>>
      %dma_wait3A_197 = tpu.memref_squeeze %dma_wait3A_196 : memref<1x128x64xf32, #tpu.memory_space<vmem>> -> memref<128x64xf32, #tpu.memory_space<vmem>>
      %dma_wait3A_198 = arith.constant 0 : i32
      %dma_wait3A_199 = tpu.memref_slice %arg7[%add3A_192, %dma_wait3A_198] : memref<200x128xi32, #tpu.memory_space<vmem>> -> memref<1x128xi32, #tpu.memory_space<vmem>>
      %dma_wait3A_200 = tpu.memref_squeeze %dma_wait3A_199 : memref<1x128xi32, #tpu.memory_space<vmem>> -> memref<128xi32, #tpu.memory_space<vmem>>
      %dma_wait3A_201 = arith.constant 0 : i32
      %dma_wait3A_202 = arith.constant 0 : i32
      %dma_wait3A_203 = tpu.memref_slice %arg2[%dma_wait3A_201, %dma_wait3A_202] : memref<1000000x64xf32, #tpu.memory_space<hbm>> -> memref<1000000x64xf32, #tpu.memory_space<hbm>>
      tpu.wait_indirect_dma semaphore(%arg10 : memref<!tpu.dma_semaphore, #tpu.memory_space<semaphore_mem>>) src(%dma_wait3A_203 : memref<1000000x64xf32, #tpu.memory_space<hbm>>) dst(%dma_wait3A_197 : memref<128x64xf32, #tpu.memory_space<vmem>>)
      %mul3A_204 = arith.constant 4 : i32
      %mul3A_205 = arith.muli %add3A_139, %mul3A_204 : i32
      %add3A_206 = arith.addi %mul3A_2, %mul3A_205 : i32
      %dma_start3A_207 = arith.constant 0 : i32
      %dma_start3A_208 = arith.constant 0 : i32
      %dma_start3A_209 = tpu.memref_slice %arg6[%add3A_206, %dma_start3A_207, %dma_start3A_208] : memref<6400x128x64xf32, #tpu.memory_space<hbm>> -> memref<4x128x64xf32, #tpu.memory_space<hbm>>
      %dma_start3A_210 = arith.constant 0 : i32
      %dma_start3A_211 = arith.constant 0 : i32
      %dma_start3A_212 = tpu.memref_slice %arg6[%add3A_206, %dma_start3A_210, %dma_start3A_211] : memref<6400x128x64xf32, #tpu.memory_space<hbm>> -> memref<4x128x64xf32, #tpu.memory_space<hbm>>
      tpu.enqueue_dma source(%arg8 : memref<4x128x64xf32, #tpu.memory_space<vmem>>) target(%dma_start3A_212 : memref<4x128x64xf32, #tpu.memory_space<hbm>>) target_semaphore(%arg12 : memref<!tpu.dma_semaphore, #tpu.memory_space<semaphore_mem>>)
      %mul3A_213 = arith.constant 2 : i32
      %mul3A_214 = arith.muli %scan3A_134, %mul3A_213 : i32
      %add3A_215 = arith.constant 1 : i32
      %add3A_216 = arith.addi %mul3A_214, %add3A_215 : i32
      %add3A_217 = arith.constant 1 : i32
      %add3A_218 = arith.addi %add3A_216, %add3A_217 : i32
      %lt3A_219 = arith.constant 50 : i32
      %lt3A_220 = arith.cmpi slt, %add3A_218, %lt3A_219 : i32
      %convert_element_type3A_221 = arith.extui %lt3A_220 : i1 to i32
      %cond3A_222 = arith.constant 0 : i32
      %cond3A_223 = arith.cmpi ne, %convert_element_type3A_221, %cond3A_222 : i32
      scf.if %cond3A_223 {
        %add3A_294 = arith.constant 1 : i32
        %add3A_295 = arith.addi %add3A_216, %add3A_294 : i32
        %ge3A = arith.constant 2 : i32
        %ge3A_296 = arith.cmpi sge, %add3A_295, %ge3A : i32
        %convert_element_type3A_297 = arith.extui %ge3A_296 : i1 to i32
        %cond3A_298 = arith.constant 0 : i32
        %cond3A_299 = arith.cmpi ne, %convert_element_type3A_297, %cond3A_298 : i32
        scf.if %cond3A_299 {
          %mul3A_368 = arith.constant 4 : i32
          %mul3A_369 = arith.muli %add3A_216, %mul3A_368 : i32
          %add3A_370 = arith.addi %mul3A_2, %mul3A_369 : i32
          %dma_wait3A_371 = arith.constant 0 : i32
          %dma_wait3A_372 = arith.constant 0 : i32
          %dma_wait3A_373 = tpu.memref_slice %arg6[%add3A_370, %dma_wait3A_371, %dma_wait3A_372] : memref<6400x128x64xf32, #tpu.memory_space<hbm>> -> memref<4x128x64xf32, #tpu.memory_space<hbm>>
          %dma_wait3A_374 = arith.constant 0 : i32
          %dma_wait3A_375 = arith.constant 0 : i32
          %dma_wait3A_376 = tpu.memref_slice %arg6[%add3A_370, %dma_wait3A_374, %dma_wait3A_375] : memref<6400x128x64xf32, #tpu.memory_space<hbm>> -> memref<4x128x64xf32, #tpu.memory_space<hbm>>
          tpu.wait_dma2 semaphore(%arg12 : memref<!tpu.dma_semaphore, #tpu.memory_space<semaphore_mem>>) src(%arg8 : memref<4x128x64xf32, #tpu.memory_space<vmem>>) dst(%dma_wait3A_376 : memref<4x128x64xf32, #tpu.memory_space<hbm>>)
        } else {
        }
        %add3A_300 = arith.constant 1 : i32
        %add3A_301 = arith.addi %add3A_216, %add3A_300 : i32
        %mul3A_302 = arith.constant 4 : i32
        %mul3A_303 = arith.muli %add3A_301, %mul3A_302 : i32
        %add3A_304 = arith.constant 0 : i32
        %add3A_305 = arith.addi %mul3A_303, %add3A_304 : i32
        %dma_start3A_306 = arith.constant 0 : i32
        %dma_start3A_307 = arith.constant 0 : i32
        %dma_start3A_308 = arith.constant 0 : i32
        %dma_start3A_309 = tpu.memref_slice %arg8[%dma_start3A_306, %dma_start3A_307, %dma_start3A_308] : memref<4x128x64xf32, #tpu.memory_space<vmem>> -> memref<1x128x64xf32, #tpu.memory_space<vmem>>
        %dma_start3A_310 = tpu.memref_squeeze %dma_start3A_309 : memref<1x128x64xf32, #tpu.memory_space<vmem>> -> memref<128x64xf32, #tpu.memory_space<vmem>>
        %dma_start3A_311 = arith.constant 0 : i32
        %dma_start3A_312 = tpu.memref_slice %arg7[%add3A_305, %dma_start3A_311] : memref<200x128xi32, #tpu.memory_space<vmem>> -> memref<1x128xi32, #tpu.memory_space<vmem>>
        %dma_start3A_313 = tpu.memref_squeeze %dma_start3A_312 : memref<1x128xi32, #tpu.memory_space<vmem>> -> memref<128xi32, #tpu.memory_space<vmem>>
        %dma_start3A_314 = arith.constant 0 : i32
        %dma_start3A_315 = arith.constant 0 : i32
        %dma_start3A_316 = tpu.memref_slice %arg2[%dma_start3A_314, %dma_start3A_315] : memref<1000000x64xf32, #tpu.memory_space<hbm>> -> memref<1000000x64xf32, #tpu.memory_space<hbm>>
        tpu.enqueue_indirect_dma source(%dma_start3A_316 : memref<1000000x64xf32, #tpu.memory_space<hbm>>) target(%dma_start3A_310 : memref<128x64xf32, #tpu.memory_space<vmem>>) offsets(%dma_start3A_313 : memref<128xi32, #tpu.memory_space<vmem>>) semaphore(%arg10 : memref<!tpu.dma_semaphore, #tpu.memory_space<semaphore_mem>>)
        %add3A_317 = arith.constant 1 : i32
        %add3A_318 = arith.addi %add3A_216, %add3A_317 : i32
        %mul3A_319 = arith.constant 4 : i32
        %mul3A_320 = arith.muli %add3A_318, %mul3A_319 : i32
        %add3A_321 = arith.constant 1 : i32
        %add3A_322 = arith.addi %mul3A_320, %add3A_321 : i32
        %dma_start3A_323 = arith.constant 1 : i32
        %dma_start3A_324 = arith.constant 0 : i32
        %dma_start3A_325 = arith.constant 0 : i32
        %dma_start3A_326 = tpu.memref_slice %arg8[%dma_start3A_323, %dma_start3A_324, %dma_start3A_325] : memref<4x128x64xf32, #tpu.memory_space<vmem>> -> memref<1x128x64xf32, #tpu.memory_space<vmem>>
        %dma_start3A_327 = tpu.memref_squeeze %dma_start3A_326 : memref<1x128x64xf32, #tpu.memory_space<vmem>> -> memref<128x64xf32, #tpu.memory_space<vmem>>
        %dma_start3A_328 = arith.constant 0 : i32
        %dma_start3A_329 = tpu.memref_slice %arg7[%add3A_322, %dma_start3A_328] : memref<200x128xi32, #tpu.memory_space<vmem>> -> memref<1x128xi32, #tpu.memory_space<vmem>>
        %dma_start3A_330 = tpu.memref_squeeze %dma_start3A_329 : memref<1x128xi32, #tpu.memory_space<vmem>> -> memref<128xi32, #tpu.memory_space<vmem>>
        %dma_start3A_331 = arith.constant 0 : i32
        %dma_start3A_332 = arith.constant 0 : i32
        %dma_start3A_333 = tpu.memref_slice %arg2[%dma_start3A_331, %dma_start3A_332] : memref<1000000x64xf32, #tpu.memory_space<hbm>> -> memref<1000000x64xf32, #tpu.memory_space<hbm>>
        tpu.enqueue_indirect_dma source(%dma_start3A_333 : memref<1000000x64xf32, #tpu.memory_space<hbm>>) target(%dma_start3A_327 : memref<128x64xf32, #tpu.memory_space<vmem>>) offsets(%dma_start3A_330 : memref<128xi32, #tpu.memory_space<vmem>>) semaphore(%arg10 : memref<!tpu.dma_semaphore, #tpu.memory_space<semaphore_mem>>)
        %add3A_334 = arith.constant 1 : i32
        %add3A_335 = arith.addi %add3A_216, %add3A_334 : i32
        %mul3A_336 = arith.constant 4 : i32
        %mul3A_337 = arith.muli %add3A_335, %mul3A_336 : i32
        %add3A_338 = arith.constant 2 : i32
        %add3A_339 = arith.addi %mul3A_337, %add3A_338 : i32
        %dma_start3A_340 = arith.constant 2 : i32
        %dma_start3A_341 = arith.constant 0 : i32
        %dma_start3A_342 = arith.constant 0 : i32
        %dma_start3A_343 = tpu.memref_slice %arg8[%dma_start3A_340, %dma_start3A_341, %dma_start3A_342] : memref<4x128x64xf32, #tpu.memory_space<vmem>> -> memref<1x128x64xf32, #tpu.memory_space<vmem>>
        %dma_start3A_344 = tpu.memref_squeeze %dma_start3A_343 : memref<1x128x64xf32, #tpu.memory_space<vmem>> -> memref<128x64xf32, #tpu.memory_space<vmem>>
        %dma_start3A_345 = arith.constant 0 : i32
        %dma_start3A_346 = tpu.memref_slice %arg7[%add3A_339, %dma_start3A_345] : memref<200x128xi32, #tpu.memory_space<vmem>> -> memref<1x128xi32, #tpu.memory_space<vmem>>
        %dma_start3A_347 = tpu.memref_squeeze %dma_start3A_346 : memref<1x128xi32, #tpu.memory_space<vmem>> -> memref<128xi32, #tpu.memory_space<vmem>>
        %dma_start3A_348 = arith.constant 0 : i32
        %dma_start3A_349 = arith.constant 0 : i32
        %dma_start3A_350 = tpu.memref_slice %arg2[%dma_start3A_348, %dma_start3A_349] : memref<1000000x64xf32, #tpu.memory_space<hbm>> -> memref<1000000x64xf32, #tpu.memory_space<hbm>>
        tpu.enqueue_indirect_dma source(%dma_start3A_350 : memref<1000000x64xf32, #tpu.memory_space<hbm>>) target(%dma_start3A_344 : memref<128x64xf32, #tpu.memory_space<vmem>>) offsets(%dma_start3A_347 : memref<128xi32, #tpu.memory_space<vmem>>) semaphore(%arg10 : memref<!tpu.dma_semaphore, #tpu.memory_space<semaphore_mem>>)
        %add3A_351 = arith.constant 1 : i32
        %add3A_352 = arith.addi %add3A_216, %add3A_351 : i32
        %mul3A_353 = arith.constant 4 : i32
        %mul3A_354 = arith.muli %add3A_352, %mul3A_353 : i32
        %add3A_355 = arith.constant 3 : i32
        %add3A_356 = arith.addi %mul3A_354, %add3A_355 : i32
        %dma_start3A_357 = arith.constant 3 : i32
        %dma_start3A_358 = arith.constant 0 : i32
        %dma_start3A_359 = arith.constant 0 : i32
        %dma_start3A_360 = tpu.memref_slice %arg8[%dma_start3A_357, %dma_start3A_358, %dma_start3A_359] : memref<4x128x64xf32, #tpu.memory_space<vmem>> -> memref<1x128x64xf32, #tpu.memory_space<vmem>>
        %dma_start3A_361 = tpu.memref_squeeze %dma_start3A_360 : memref<1x128x64xf32, #tpu.memory_space<vmem>> -> memref<128x64xf32, #tpu.memory_space<vmem>>
        %dma_start3A_362 = arith.constant 0 : i32
        %dma_start3A_363 = tpu.memref_slice %arg7[%add3A_356, %dma_start3A_362] : memref<200x128xi32, #tpu.memory_space<vmem>> -> memref<1x128xi32, #tpu.memory_space<vmem>>
        %dma_start3A_364 = tpu.memref_squeeze %dma_start3A_363 : memref<1x128xi32, #tpu.memory_space<vmem>> -> memref<128xi32, #tpu.memory_space<vmem>>
        %dma_start3A_365 = arith.constant 0 : i32
        %dma_start3A_366 = arith.constant 0 : i32
        %dma_start3A_367 = tpu.memref_slice %arg2[%dma_start3A_365, %dma_start3A_366] : memref<1000000x64xf32, #tpu.memory_space<hbm>> -> memref<1000000x64xf32, #tpu.memory_space<hbm>>
        tpu.enqueue_indirect_dma source(%dma_start3A_367 : memref<1000000x64xf32, #tpu.memory_space<hbm>>) target(%dma_start3A_361 : memref<128x64xf32, #tpu.memory_space<vmem>>) offsets(%dma_start3A_364 : memref<128xi32, #tpu.memory_space<vmem>>) semaphore(%arg10 : memref<!tpu.dma_semaphore, #tpu.memory_space<semaphore_mem>>)
      } else {
      }
      %mul3A_224 = arith.constant 4 : i32
      %mul3A_225 = arith.muli %add3A_216, %mul3A_224 : i32
      %add3A_226 = arith.constant 0 : i32
      %add3A_227 = arith.addi %mul3A_225, %add3A_226 : i32
      %dma_wait3A_228 = arith.constant 0 : i32
      %dma_wait3A_229 = arith.constant 0 : i32
      %dma_wait3A_230 = arith.constant 0 : i32
      %dma_wait3A_231 = tpu.memref_slice %arg9[%dma_wait3A_228, %dma_wait3A_229, %dma_wait3A_230] : memref<4x128x64xf32, #tpu.memory_space<vmem>> -> memref<1x128x64xf32, #tpu.memory_space<vmem>>
      %dma_wait3A_232 = tpu.memref_squeeze %dma_wait3A_231 : memref<1x128x64xf32, #tpu.memory_space<vmem>> -> memref<128x64xf32, #tpu.memory_space<vmem>>
      %dma_wait3A_233 = arith.constant 0 : i32
      %dma_wait3A_234 = tpu.memref_slice %arg7[%add3A_227, %dma_wait3A_233] : memref<200x128xi32, #tpu.memory_space<vmem>> -> memref<1x128xi32, #tpu.memory_space<vmem>>
      %dma_wait3A_235 = tpu.memref_squeeze %dma_wait3A_234 : memref<1x128xi32, #tpu.memory_space<vmem>> -> memref<128xi32, #tpu.memory_space<vmem>>
      %dma_wait3A_236 = arith.constant 0 : i32
      %dma_wait3A_237 = arith.constant 0 : i32
      %dma_wait3A_238 = tpu.memref_slice %arg2[%dma_wait3A_236, %dma_wait3A_237] : memref<1000000x64xf32, #tpu.memory_space<hbm>> -> memref<1000000x64xf32, #tpu.memory_space<hbm>>
      tpu.wait_indirect_dma semaphore(%arg11 : memref<!tpu.dma_semaphore, #tpu.memory_space<semaphore_mem>>) src(%dma_wait3A_238 : memref<1000000x64xf32, #tpu.memory_space<hbm>>) dst(%dma_wait3A_232 : memref<128x64xf32, #tpu.memory_space<vmem>>)
      %mul3A_239 = arith.constant 4 : i32
      %mul3A_240 = arith.muli %add3A_216, %mul3A_239 : i32
      %add3A_241 = arith.constant 1 : i32
      %add3A_242 = arith.addi %mul3A_240, %add3A_241 : i32
      %dma_wait3A_243 = arith.constant 1 : i32
      %dma_wait3A_244 = arith.constant 0 : i32
      %dma_wait3A_245 = arith.constant 0 : i32
      %dma_wait3A_246 = tpu.memref_slice %arg9[%dma_wait3A_243, %dma_wait3A_244, %dma_wait3A_245] : memref<4x128x64xf32, #tpu.memory_space<vmem>> -> memref<1x128x64xf32, #tpu.memory_space<vmem>>
      %dma_wait3A_247 = tpu.memref_squeeze %dma_wait3A_246 : memref<1x128x64xf32, #tpu.memory_space<vmem>> -> memref<128x64xf32, #tpu.memory_space<vmem>>
      %dma_wait3A_248 = arith.constant 0 : i32
      %dma_wait3A_249 = tpu.memref_slice %arg7[%add3A_242, %dma_wait3A_248] : memref<200x128xi32, #tpu.memory_space<vmem>> -> memref<1x128xi32, #tpu.memory_space<vmem>>
      %dma_wait3A_250 = tpu.memref_squeeze %dma_wait3A_249 : memref<1x128xi32, #tpu.memory_space<vmem>> -> memref<128xi32, #tpu.memory_space<vmem>>
      %dma_wait3A_251 = arith.constant 0 : i32
      %dma_wait3A_252 = arith.constant 0 : i32
      %dma_wait3A_253 = tpu.memref_slice %arg2[%dma_wait3A_251, %dma_wait3A_252] : memref<1000000x64xf32, #tpu.memory_space<hbm>> -> memref<1000000x64xf32, #tpu.memory_space<hbm>>
      tpu.wait_indirect_dma semaphore(%arg11 : memref<!tpu.dma_semaphore, #tpu.memory_space<semaphore_mem>>) src(%dma_wait3A_253 : memref<1000000x64xf32, #tpu.memory_space<hbm>>) dst(%dma_wait3A_247 : memref<128x64xf32, #tpu.memory_space<vmem>>)
      %mul3A_254 = arith.constant 4 : i32
      %mul3A_255 = arith.muli %add3A_216, %mul3A_254 : i32
      %add3A_256 = arith.constant 2 : i32
      %add3A_257 = arith.addi %mul3A_255, %add3A_256 : i32
      %dma_wait3A_258 = arith.constant 2 : i32
      %dma_wait3A_259 = arith.constant 0 : i32
      %dma_wait3A_260 = arith.constant 0 : i32
      %dma_wait3A_261 = tpu.memref_slice %arg9[%dma_wait3A_258, %dma_wait3A_259, %dma_wait3A_260] : memref<4x128x64xf32, #tpu.memory_space<vmem>> -> memref<1x128x64xf32, #tpu.memory_space<vmem>>
      %dma_wait3A_262 = tpu.memref_squeeze %dma_wait3A_261 : memref<1x128x64xf32, #tpu.memory_space<vmem>> -> memref<128x64xf32, #tpu.memory_space<vmem>>
      %dma_wait3A_263 = arith.constant 0 : i32
      %dma_wait3A_264 = tpu.memref_slice %arg7[%add3A_257, %dma_wait3A_263] : memref<200x128xi32, #tpu.memory_space<vmem>> -> memref<1x128xi32, #tpu.memory_space<vmem>>
      %dma_wait3A_265 = tpu.memref_squeeze %dma_wait3A_264 : memref<1x128xi32, #tpu.memory_space<vmem>> -> memref<128xi32, #tpu.memory_space<vmem>>
      %dma_wait3A_266 = arith.constant 0 : i32
      %dma_wait3A_267 = arith.constant 0 : i32
      %dma_wait3A_268 = tpu.memref_slice %arg2[%dma_wait3A_266, %dma_wait3A_267] : memref<1000000x64xf32, #tpu.memory_space<hbm>> -> memref<1000000x64xf32, #tpu.memory_space<hbm>>
      tpu.wait_indirect_dma semaphore(%arg11 : memref<!tpu.dma_semaphore, #tpu.memory_space<semaphore_mem>>) src(%dma_wait3A_268 : memref<1000000x64xf32, #tpu.memory_space<hbm>>) dst(%dma_wait3A_262 : memref<128x64xf32, #tpu.memory_space<vmem>>)
      %mul3A_269 = arith.constant 4 : i32
      %mul3A_270 = arith.muli %add3A_216, %mul3A_269 : i32
      %add3A_271 = arith.constant 3 : i32
      %add3A_272 = arith.addi %mul3A_270, %add3A_271 : i32
      %dma_wait3A_273 = arith.constant 3 : i32
      %dma_wait3A_274 = arith.constant 0 : i32
      %dma_wait3A_275 = arith.constant 0 : i32
      %dma_wait3A_276 = tpu.memref_slice %arg9[%dma_wait3A_273, %dma_wait3A_274, %dma_wait3A_275] : memref<4x128x64xf32, #tpu.memory_space<vmem>> -> memref<1x128x64xf32, #tpu.memory_space<vmem>>
      %dma_wait3A_277 = tpu.memref_squeeze %dma_wait3A_276 : memref<1x128x64xf32, #tpu.memory_space<vmem>> -> memref<128x64xf32, #tpu.memory_space<vmem>>
      %dma_wait3A_278 = arith.constant 0 : i32
      %dma_wait3A_279 = tpu.memref_slice %arg7[%add3A_272, %dma_wait3A_278] : memref<200x128xi32, #tpu.memory_space<vmem>> -> memref<1x128xi32, #tpu.memory_space<vmem>>
      %dma_wait3A_280 = tpu.memref_squeeze %dma_wait3A_279 : memref<1x128xi32, #tpu.memory_space<vmem>> -> memref<128xi32, #tpu.memory_space<vmem>>
      %dma_wait3A_281 = arith.constant 0 : i32
      %dma_wait3A_282 = arith.constant 0 : i32
      %dma_wait3A_283 = tpu.memref_slice %arg2[%dma_wait3A_281, %dma_wait3A_282] : memref<1000000x64xf32, #tpu.memory_space<hbm>> -> memref<1000000x64xf32, #tpu.memory_space<hbm>>
      tpu.wait_indirect_dma semaphore(%arg11 : memref<!tpu.dma_semaphore, #tpu.memory_space<semaphore_mem>>) src(%dma_wait3A_283 : memref<1000000x64xf32, #tpu.memory_space<hbm>>) dst(%dma_wait3A_277 : memref<128x64xf32, #tpu.memory_space<vmem>>)
      %mul3A_284 = arith.constant 4 : i32
      %mul3A_285 = arith.muli %add3A_216, %mul3A_284 : i32
      %add3A_286 = arith.addi %mul3A_2, %mul3A_285 : i32
      %dma_start3A_287 = arith.constant 0 : i32
      %dma_start3A_288 = arith.constant 0 : i32
      %dma_start3A_289 = tpu.memref_slice %arg6[%add3A_286, %dma_start3A_287, %dma_start3A_288] : memref<6400x128x64xf32, #tpu.memory_space<hbm>> -> memref<4x128x64xf32, #tpu.memory_space<hbm>>
      %dma_start3A_290 = arith.constant 0 : i32
      %dma_start3A_291 = arith.constant 0 : i32
      %dma_start3A_292 = tpu.memref_slice %arg6[%add3A_286, %dma_start3A_290, %dma_start3A_291] : memref<6400x128x64xf32, #tpu.memory_space<hbm>> -> memref<4x128x64xf32, #tpu.memory_space<hbm>>
      tpu.enqueue_dma source(%arg9 : memref<4x128x64xf32, #tpu.memory_space<vmem>>) target(%dma_start3A_292 : memref<4x128x64xf32, #tpu.memory_space<hbm>>) target_semaphore(%arg13 : memref<!tpu.dma_semaphore, #tpu.memory_space<semaphore_mem>>)
      %scan3A_293 = arith.constant 0 : i32
      scf.yield %scan3A_293 : i32
    }
    %scan3A_121 = arith.constant 25 : i32
    %dma_wait3A_122 = arith.constant 0 : i32
    %dma_wait3A_123 = arith.constant 0 : i32
    %dma_wait3A_124 = tpu.memref_slice %arg6[%mul3A_2, %dma_wait3A_122, %dma_wait3A_123] : memref<6400x128x64xf32, #tpu.memory_space<hbm>> -> memref<4x128x64xf32, #tpu.memory_space<hbm>>
    %dma_wait3A_125 = arith.constant 0 : i32
    %dma_wait3A_126 = arith.constant 0 : i32
    %dma_wait3A_127 = tpu.memref_slice %arg6[%mul3A_2, %dma_wait3A_125, %dma_wait3A_126] : memref<6400x128x64xf32, #tpu.memory_space<hbm>> -> memref<4x128x64xf32, #tpu.memory_space<hbm>>
    tpu.wait_dma2 semaphore(%arg12 : memref<!tpu.dma_semaphore, #tpu.memory_space<semaphore_mem>>) src(%arg8 : memref<4x128x64xf32, #tpu.memory_space<vmem>>) dst(%dma_wait3A_127 : memref<4x128x64xf32, #tpu.memory_space<hbm>>)
    %dma_wait3A_128 = arith.constant 0 : i32
    %dma_wait3A_129 = arith.constant 0 : i32
    %dma_wait3A_130 = tpu.memref_slice %arg6[%mul3A_2, %dma_wait3A_128, %dma_wait3A_129] : memref<6400x128x64xf32, #tpu.memory_space<hbm>> -> memref<4x128x64xf32, #tpu.memory_space<hbm>>
    %dma_wait3A_131 = arith.constant 0 : i32
    %dma_wait3A_132 = arith.constant 0 : i32
    %dma_wait3A_133 = tpu.memref_slice %arg6[%mul3A_2, %dma_wait3A_131, %dma_wait3A_132] : memref<6400x128x64xf32, #tpu.memory_space<hbm>> -> memref<4x128x64xf32, #tpu.memory_space<hbm>>
    tpu.wait_dma2 semaphore(%arg13 : memref<!tpu.dma_semaphore, #tpu.memory_space<semaphore_mem>>) src(%arg9 : memref<4x128x64xf32, #tpu.memory_space<vmem>>) dst(%dma_wait3A_133 : memref<4x128x64xf32, #tpu.memory_space<hbm>>)
    return
  }
}

</mosaic_0001>

<sc_bundles>
// kernel: kernel.3.cloned.1.call-start
scs
__scs_entry_jumppad:
0x0: {  	(pc) =	sbr.rel $0x88, $3  }
0x1: {  	(tag) =	ssettag $0x0;
	lr =	simm.s32 $0x1  }
0x2: {  	[smem:$0x3F9E] =	sst lr;
	_ =	strace $0xD0000000  }
0x3: {  	_ = 	snop  }
0x4: {  	_ = 	snop  }
0x5: {  	_ = 	snop  }
0x6: {  	_ = 	snop  }
0x7: {  	_ = 	snop  }
__scs_overlays_trampoline_lowered:
0x8: {  	[smem:$0x3FAD] =	sst s0  }
0x9: {  	[smem:$0x3FAE] =	sst s1  }
0xa: {  	[smem:$0x3FAF] =	sst s2  }
0xb: {  	[smem:$0x3FB0] =	sst s3  }
0xc: {  	[smem:$0x3FB1] =	sst s4  }
0xd: {  	[smem:$0x3FB2] =	sst s5  }
0xe: {  	[smem:$0x3FB3] =	sst s6  }
0xf: {  	[smem:$0x3FB4] =	sst s7  }
0x10: {  	[smem:$0x3FB5] =	sst s8  }
0x11: {  	[smem:$0x3FB6] =	sst s9;
	s0 =	simm.s32 @!p0 $0x0  }
0x12: {  	s1 =	sld [smem:$0x3F9C];
	s0 =	simm.s32 @p0 $0x1  }
0x13: {  	[smem:$0x3FB7] =	sst s0;
	s0 =	simm.s32 @!p1 $0x0  }
0x14: {  	s2 =	sld [smem:$0x3F9B];
	s0 =	simm.s32 @p1 $0x1  }
0x15: {  	[smem:$0x3FB8] =	sst s0;
	s0 =	simm.s32 @!p2 $0x0  }
0x16: {  	s3 =	sld [smem:$0x3FDB];
	s0 =	simm.s32 @p2 $0x1  }
0x17: {  	s4 =	simm.s32 $0x1BF5;
	[smem:$0x3FBA] =	sst s0  }
0x18: {  	s0 =	sld [smem:$0x3F9D];
	_ =	swait.ge [sflag:s4], $0x0  }
0x19: {  	s7 =	sld [smem:$0x3F9E]  }
0x1a: {  	s8 =	sadd.s32 $0xFFFFE003, lr  }
0x1b: {  	s9 =	sadd.s32 $0xFFFFFEF7, lr;
	s5 =	simm.s32 $0xFFFFFFFF;
	p2 =	slt.u32 s8, $0xFFFFF086  }
0x1c: {  	p1 =	slt.u32 s9, $0xF7A;
	s5 =	simm.s32 @!p2 $0x0  }
0x1d: {  	s5 =	simm.s32 @p1 $0x1;
	p0 =	seq.s32 s7, s2  }
0x1e: {  	s7 =	smul.u32 @!p0 $0xF7A, s2;
	p2 =	seq.s32 @!p0 s5, $0x0  }
0x1f: {  	s9 =	smul.u32 $0xF7A, s1;
	s8 =	simm.s32 @!p0 $0x1BF5;
	p2 =	por !p2, p0  }
0x20: {  	[sflag:s8] =	ssyncset.s32 @!p0 $0xFFFFF086;
	s6 =	sadd.s32 @!p0 s3, s7;
	s7 =	simm.s32 @!p0 $0x108  }
0x21: {  	s3 =	sadd.s32 s3, s9;
	s6 =	sadd.s32 @!p0 $0x88, s6;
	s7 =	simm.s32 @p2 $0x1082  }
0x22: {  	[simem:s7], [sflag:s8] =	dma.local @!p0 [hbm:s6], $0xF7A  }
0x23: {  	s9 =	sor.u32 $0xD0000000, s2;
	s6 =	simm.s32 $0x108;
	_ =	swait.ge @!p0 [sflag:s8], $0x0  }
0x24: {  	s3 =	sadd.s32 $0x88, s3;
	s6 =	simm.s32 @!p1 $0x1082;
	[sflag:s4] =	ssyncset.s32 $0xFFFFF086  }
0x25: {  	[simem:s6], [sflag:s4] =	dma.local [hbm:s3], $0xF7A  }
0x26: {  	[smem:$0x3F9E] =	sst s1;
	(tag) =	ssettag s2;
	_ =	strace s9  }
0x27: {  	s1 =	sld [smem:$0x3FAE]  }
0x28: {  	s2 =	sld [smem:$0x3FAF]  }
0x29: {  	s4 =	sld [smem:$0x3FB1]  }
0x2a: {  	p0 =	seq.s32 s5, $0x0;
	s5 =	sld [smem:$0x3FB2]  }
0x2b: {  	s6 =	sld [smem:$0x3FB3]  }
0x2c: {  	s7 =	sld [smem:$0x3FB4]  }
0x2d: {  	s3 =	simm.s32 $0x108;
	s8 =	sld [smem:$0x3FB5]  }
0x2e: {  	s3 =	simm.s32 @!p0 $0x1082;
	s9 =	sld [smem:$0x3FB6]  }
0x2f: {  	lr =	sadd.s32 s0, s3;
	s0 =	sld [smem:$0x3FAD]  }
0x30: {  	s3 =	sld [smem:$0x3FB0]  }
0x31: {  	[smem:$0x3FB9] =	sst s10  }
0x32: {  	s10 =	sld [smem:$0x3FB7];
	_ =	sdelay $0x3  }
0x33: {  	p0 =	seq.s32 s10, $0x1;
	s10 =	sld [smem:$0x3FB9];
	_ =	sdelay $0x3  }
0x34: {  	[smem:$0x3FB9] =	sst s10  }
0x35: {  	s10 =	sld [smem:$0x3FB8];
	_ =	sdelay $0x3  }
0x36: {  	p1 =	seq.s32 s10, $0x1;
	s10 =	sld [smem:$0x3FB9];
	_ =	sdelay $0x3  }
0x37: {  	[smem:$0x3FB9] =	sst s10  }
0x38: {  	s10 =	sld [smem:$0x3FBA]  }
0x39: {  	_ = 	snop;
	(pc) =	sbr.ind lr, $3  }
0x3a: {  	_ = 	snop  }
0x3b: {  	_ = 	snop  }
0x3c: {  	p2 =	seq.s32 s10, $0x1;
	s10 =	sld [smem:$0x3FB9]  }
0x3d: {  	_ =	shalt  }
0x3e: {  	_ =	shalt  }
0x3f: {  	_ =	shalt  }
0x40: {  	_ =	shalt  }
0x41: {  	_ =	shalt  }
0x42: {  	_ =	shalt  }
0x43: {  	_ =	shalt  }
0x44: {  	_ =	shalt  }
0x45: {  	_ =	shalt  }
0x46: {  	_ =	shalt  }
0x47: {  	_ =	shalt  }
0x48: {  	_ =	shalt  }
0x49: {  	_ =	shalt  }
0x4a: {  	_ =	shalt  }
0x4b: {  	_ =	shalt  }
0x4c: {  	_ =	shalt  }
0x4d: {  	_ =	shalt  }
0x4e: {  	_ =	shalt  }
0x4f: {  	_ =	shalt  }
0x50: {  	_ =	shalt  }
0x51: {  	_ =	shalt  }
0x52: {  	_ =	shalt  }
0x53: {  	_ =	shalt  }
0x54: {  	_ =	shalt  }
0x55: {  	_ =	shalt  }
0x56: {  	_ =	shalt  }
0x57: {  	_ =	shalt  }
0x58: {  	_ =	shalt  }
0x59: {  	_ =	shalt  }
0x5a: {  	_ =	shalt  }
0x5b: {  	_ =	shalt  }
0x5c: {  	_ =	shalt  }
0x5d: {  	_ =	shalt  }
0x5e: {  	_ =	shalt  }
0x5f: {  	_ =	shalt  }
0x60: {  	_ =	shalt  }
0x61: {  	_ =	shalt  }
0x62: {  	_ =	shalt  }
0x63: {  	_ =	shalt  }
0x64: {  	_ =	shalt  }
0x65: {  	_ =	shalt  }
0x66: {  	_ =	shalt  }
0x67: {  	_ =	shalt  }
0x68: {  	_ =	shalt  }
0x69: {  	_ =	shalt  }
0x6a: {  	_ =	shalt  }
0x6b: {  	_ =	shalt  }
0x6c: {  	_ =	shalt  }
0x6d: {  	_ =	shalt  }
0x6e: {  	_ =	shalt  }
0x6f: {  	_ =	shalt  }
0x70: {  	_ =	shalt  }
0x71: {  	_ =	shalt  }
0x72: {  	_ =	shalt  }
0x73: {  	_ =	shalt  }
0x74: {  	_ =	shalt  }
0x75: {  	_ =	shalt  }
0x76: {  	_ =	shalt  }
0x77: {  	_ =	shalt  }
0x78: {  	_ =	shalt  }
0x79: {  	_ =	shalt  }
0x7a: {  	_ =	shalt  }
0x7b: {  	_ =	shalt  }
0x7c: {  	_ =	shalt  }
0x7d: {  	_ =	shalt  }
0x7e: {  	_ =	shalt  }
0x7f: {  	_ =	shalt  }
0x80: {  	_ =	shalt  }
0x81: {  	_ =	shalt  }
0x82: {  	_ =	shalt  }
0x83: {  	_ =	shalt  }
0x84: {  	_ =	shalt  }
0x85: {  	_ =	shalt  }
0x86: {  	_ =	shalt  }
0x87: {  	_ =	shalt  }
.Lfunc_end0:
.L_simem_size_0:
called_computation.2_lowered:
.L_overlay_start_0:
0x88: {  	s2 =	sld [smem:$0x3FD9]  }
0x89: {  	s3 =	sld [smem:$0x3FFE];
	_ =	sdelay $0x1  }
0x8a: {  	s1 =	srdreg.scid  }
0x8b: {  	s0 =	sand.u32 $0x1, s1  }
0x8c: {  	s14 =	sshll.u32 s0, $0xA;
	s2 =	sadd.s32 s3, s2  }
0x8d: {  	s2 =	sadd.s32 s2, s14  }
0x8e: {  	[smem:$0x3FC5] =	sst s2  }
0x8f: {  	_ = 	snop  }
0x90: {  	s2 =	sld [smem:$0x3FD0];
	_ =	sdelay $0x2  }
0x91: {  	s15 =	simm.s32 $0xB;
	s4 =	simm.s32 $0x10  }
0x92: {  	[smem:s4], [sflag:s15] =	dma.local [hbm:s2], $0x1  }
0x93: {  	_ =	swait.eq [sflag:s15], $0x1  }
0x94: {  	[sflag:s15] =	ssyncset.done $0x0  }
0x95: {  	s16 =	sld [smem:$0x10];
	[sflag:s15] =	ssyncadd.s32 $0xFFFFFFFF  }
0x96: {  	s17 =	sld [smem:$0x11];
	(tm) =	ssettm $0x1  }
0x97: {  	s18 =	sld [smem:$0x3FFB];
	_ =	sdelay $0x3  }
0x98: {  	_ =	strace s18  }
0x99: {  	s4 =	sld [smem:$0x3FFC];
	_ =	sdelay $0x3  }
0x9a: {  	_ =	strace s4  }
0x9b: {  	s4 =	sld [smem:$0x3FFD];
	_ =	sdelay $0x3  }
0x9c: {  	_ =	strace s4  }
0x9d: {  	_ =	strace $0x8FFFFFFF  }
0x9e: {  	s19 =	sld [smem:$0x3FDB];
	_ =	sdelay $0x1  }
0x9f: {  	s5 =	simm.s32 $_scs_section_size  }
0xa0: {  	s6 =	simm.s32 $_size__tile_overlayer_lowered;
	s7 =	simm.s32 $_tile_overlayer_lowered  }
0xa1: {  	s22 =	simm.s32 $0x1BFF;
	s21 =	sshll.u32 s7, $0x1;
	s4 =	sadd.s32 s5, s19  }
0xa2: {  	s8 =	simm.s32 $0x0;
	s20 =	sshll.u32 s6, $0x1;
	s6 =	sadd.s32 s21, s4  }
0xa3: {  	[timem:s8], [sflag:s22] =	dma.local [hbm:s6], s20  }
0xa4: {  	_ =	swait.ge [sflag:s22], s20  }
0xa5: {  	s5 =	ssub.s32 $0x0, s20;
	[sflag:s22] =	ssyncset.done $0x0  }
0xa6: {  	[sflag:s22] =	ssyncadd.s32 s5;
	_ =	sdelay $0x1  }
0xa7: {  	s23 =	simm.s32 $0x1B8B  }
0xa8: {  	_ =	swait.ge [sflag:s23], $0x1  }
0xa9: {  	[sflag:s23] =	ssyncset.done $0x0  }
0xaa: {  	s25 =	simm.s32 $0x1B8E;
	s24 =	sld [smem:$0x3FFE];
	[sflag:s23] =	ssyncadd.s32 $0xFFFFFFFF  }
0xab: {  	s26 =	simm.s32 $execute0_lowered;
	[smem:$0x3FD2] =	sst s25  }
0xac: {  	s6 =	sshll.u32 s26, $0x1;
	_ =	strace $0x80000046;
	[dreg:$0x1] =	wrdreg $0xFFFFFFFF  }
0xad: {  	s28 =	simm.s32 $_size_execute0_lowered;
	s4 =	sadd.s32 s4, s6;
	[dreg:$0x0] =	wrdreg $0x0  }
0xae: {  	s6 =	sshll.u32 s28, $0x1;
	[dreg:$0x2] =	wrdreg s4  }
0xaf: {  	[dreg:$0x3] =	wrdreg s6  }
0xb0: {  	[dreg:$0x4] =	wrdreg $0xC0  }
0xb1: {  	_ =	task [dreg:s8], $0x5FFFF  }
0xb2: {  	[dreg:$0x1] =	wrdreg $0xFFFFFFFF  }
0xb3: {  	[dreg:$0x0] =	wrdreg $0x60  }
0xb4: {  	[dreg:$0x2] =	wrdreg s24  }
0xb5: {  	[dreg:$0x3] =	wrdreg s16  }
0xb6: {  	[dreg:$0x4] =	wrdreg s17  }
0xb7: {  	[dreg:$0x5] =	wrdreg $0x9  }
0xb8: {  	_ =	task.clear_ibuf [dreg:s8], $0x6FFFF;
	_ =	strace $0x90000046  }
0xb9: {  	s29 =	simm.s32 $0x9;
	_ =	strace $0x80000048  }
0xba: {  	_ =	swait.ge [sflag:s29], $0x1  }
0xbb: {  	[sflag:s29] =	ssyncadd.s32 $0xFFFFFFFF  }
0xbc: {  	_ =	strace $0x90000048  }
0xbd: {  	_ =	sfence  }
0xbe: {  	s30 =	sld [smem:$0x0];
	_ =	sdelay $0x2  }
0xbf: {  	s31 =	sshll.u32 s1, $0xD;
	s1 =	sshrl.u32 s1, $0x2  }
0xc0: {  	s3 =	sand.u32 $0x4000, s31;
	s1 =	sadd.s32 s1, s30  }
0xc1: {  	s0 =	sor.u32 s3, s0;
	s1 =	sshll.u32 s1, $0x11  }
0xc2: {  	s0 =	sor.u32 s1, s0  }
0xc3: {  	s0 =	sadd.s32 $0x8F2B, s0  }
0xc4: {  	[sflag:s0] =	ssyncadd.remote.s32 $0x1  }
0xc5: {  	_ =	sfence.sel $0xFFFF  }
0xc6: {  	[dreg:$0x0] =	wrdreg $0xFFFFFFFF;
	(pc) =	sbr.abs _section_cstart, $3  }
0xc7: {  	[dreg:$0x1] =	wrdreg $0xFFFFFFFF  }
0xc8: {  	_ =	task.clear_ibuf [dreg:s8], $0x2FFFF;
	_ =	strace $0x9FFFFFFF  }
0xc9: {  	(tm) =	ssettm $0x7FFFFFFF  }
tec
execute0_lowered:
.L_overlay_start_1:
0x0: {  	(tag) =	ssettag $0x1  }
0x1: {  	s0 =	rddreg [dreg:$0x0]  }
0x2: {  	s2 =	rddreg [dreg:$0x1]  }
0x3: {  	s1 =	srdreg.scid;
	s10 =	stileid.u32  }
0x4: {  	s3 =	rddreg [dreg:$0x2];
	s4 =	simm.s32 $0x0;
	s28 =	simm.s32 $0xC400  }
0x5: {  	s30 =	simm.s32 $0xE400;
	s29 =	simm.s32 $0x6300;
	s31 =	simm.s32 $0x6380  }
0x6: {  	s1 =	sand.u32 $0x1, s1;
	s5 =	sshll.u32 s10, $0x1;
	s17 =	smul.u32 $0x320000, s10  }
0x7: {  	s5 =	sor.u32 s1, s5;
	s7 =	ssub.s32 $0x2, s1;
	s1 =	smul.u32 $0x190000, s1  }
0x8: {  	[smem:$0x7FF] =	sst s4;
	s10 =	simm.s32 $0x3;
	s6 =	smul.u32 $0xC80, s5  }
0x9: {  	_ =	strace $0x80000047;
	s8 =	sshrl.u32 s7, $0x1;
	s9 =	smul.u32 $0x190000, s5  }
0xa: {  	s5 =	sadd.s32 $0xF43800, s0;
	s14 =	ssub.s32 s7, s8;
	s1 =	sadd.s32 s1, s17  }
0xb: {  	s8 =	simm.s32 $0x14400;
	s6 =	sadd.s32 s6, s0;
	s16 =	sshrl.u32 s9, $0x3  }
0xc: {  	s0 =	smax.u32 s14, $0x1;
	s24 =	sadd.s32 $0x18000, s1;
	s17 =	sadd.s32 $0x10000, s1  }
0xd: {  	s1 =	simm.s32 $0x10400;
	s9 =	simm.s32 $0x1;
	s15 =	sadd.s32 $0x1A400, s6  }
0xe: {  	s6 =	sadd.s32 $0x1400, s6;
	[dreg:$0x6] =	wrdreg s0;
	s18 =	sor.u32 $0x1000, s16  }
0xf: {  	s19 =	sadd.s32 s2, s16;
	s21 =	sadd.s32 s3, s16;
	[dreg:$0x4] =	wrdreg s15  }
0x10: {  	s22 =	sadd.s32 $0x30000, s16;
	s26 =	sshrl.u32 s24, $0x3;
	[dreg:$0x5] =	wrdreg s6  }
0x11: {  	s24 =	simm.s32 $0x4;
	[dreg:$0x7] =	wrdreg s19;
	s20 =	sadd.s32 s2, s18  }
0x12: {  	[dreg:$0x9] =	wrdreg s21;
	s0 =	sadd.s32 s3, s18;
	s23 =	sadd.s32 s2, s22  }
0x13: {  	s6 =	sadd.s32 $0x31000, s16;
	s14 =	sadd.s32 s26, s2;
	[dreg:$0x8] =	wrdreg s20  }
0x14: {  	s19 =	sadd.s32 s26, s3;
	s21 =	simm.s32 $0x80;
	[dreg:$0xa] =	wrdreg s0  }
0x15: {  	s26 =	simm.s32 $0x100;
	[dreg:$0xb] =	wrdreg s23;
	s25 =	sadd.s32 s2, s6  }
0x16: {  	s15 =	simm.s32 $0x2;
	s0 =	sadd.s32 s3, s22;
	[dreg:$0xc] =	wrdreg s25  }
0x17: {  	s6 =	sadd.s32 s3, s6;
	s20 =	simm.s32 $0x5;
	[dreg:$0xd] =	wrdreg s0  }
0x18: {  	s22 =	simm.s32 $0x6400;
	s23 =	simm.s32 $0x8400;
	[dreg:$0xe] =	wrdreg s6  }
0x19: {  	s25 =	simm.s32 $0xA400;
	s6 =	simm.s32 $0x12400;
	s0 =	simm.s32 $0x0  }
.LBB2_1:
0x1a: {  	s7 =	rddreg [dreg:$0x4]  }
0x1b: {  	[tilespmem:s4], [sflag:$0x5] =	stream.linear.gather [hbm4b:s7+s4], $0x6400, $0x38;
	[tilespmem:$0x16400] =	vst v63  }
0x1c: {  	_ =	swait.ge [sflag:s20], $0x6400  }
0x1d: {  	[sflag:s20] =	ssyncset.done $0x0  }
0x1e: {  	[sflag:s20] =	ssyncadd.s32 $0xFFFF9C00  }
0x1f: {  	[tilespmem:s22], [sflag:$0x1] =	stream.indirect.gather [hbm4b:s5+s21], $0x40, s4, s21, $0xb8;
	[tilespmem:$0x16400] =	vst v63  }
0x20: {  	_ = 	snop  }
0x21: {  	[tilespmem:s23], [sflag:$0x1] =	stream.indirect.gather [hbm4b:s5+s21], $0x40, s21, s21, $0xb8;
	[tilespmem:$0x16400] =	vst v63  }
0x22: {  	_ = 	snop  }
0x23: {  	[tilespmem:s25], [sflag:$0x1] =	stream.indirect.gather [hbm4b:s5+s21], $0x40, s26, s21, $0xb8;
	[tilespmem:$0x16400] =	vst v63  }
0x24: {  	s26 =	simm.s32 $0x180  }
0x25: {  	[tilespmem:s28], [sflag:$0x1] =	stream.indirect.gather [hbm4b:s5+s21], $0x40, s26, s21, $0xb8;
	[tilespmem:$0x16400] =	vst v63  }
0x26: {  	s11 =	simm.s32 $0x200  }
0x27: {  	[tilespmem:s30], [sflag:$0x2] =	stream.indirect.gather [hbm4b:s5+s21], $0x40, s11, s21, $0xb8;
	[tilespmem:$0x16400] =	vst v63  }
0x28: {  	s12 =	simm.s32 $0x280  }
0x29: {  	[tilespmem:s1], [sflag:$0x2] =	stream.indirect.gather [hbm4b:s5+s21], $0x40, s12, s21, $0xb8;
	[tilespmem:$0x16400] =	vst v63  }
0x2a: {  	s13 =	simm.s32 $0x300  }
0x2b: {  	[tilespmem:s6], [sflag:$0x2] =	stream.indirect.gather [hbm4b:s5+s21], $0x40, s13, s21, $0xb8;
	[tilespmem:$0x16400] =	vst v63  }
0x2c: {  	s16 =	simm.s32 $0x380  }
0x2d: {  	[tilespmem:s8], [sflag:$0x2] =	stream.indirect.gather [hbm4b:s5+s21], $0x40, s16, s21, $0xb8;
	[tilespmem:$0x16400] =	vst v63  }
0x2e: {  	_ =	swait.ge [sflag:s9], $0x2000  }
0x2f: {  	[sflag:s9] =	ssyncset.done $0x0  }
0x30: {  	[sflag:s9] =	ssyncadd.s32 $0xFFFFE000  }
0x31: {  	_ =	swait.ge [sflag:s9], $0x2000  }
0x32: {  	[sflag:s9] =	ssyncset.done $0x0  }
0x33: {  	[sflag:s9] =	ssyncadd.s32 $0xFFFFE000  }
0x34: {  	_ =	swait.ge [sflag:s9], $0x2000  }
0x35: {  	[sflag:s9] =	ssyncset.done $0x0  }
0x36: {  	[sflag:s9] =	ssyncadd.s32 $0xFFFFE000  }
0x37: {  	_ =	swait.ge [sflag:s9], $0x2000  }
0x38: {  	[sflag:s9] =	ssyncset.done $0x0  }
0x39: {  	s18 =	rddreg [dreg:$0x7];
	[sflag:s9] =	ssyncadd.s32 $0xFFFFE000  }
0x3a: {  	[hbm4b:s18+s4] =	stream.linear.scatter [tilespmem:s22], [sflag:$0x3], $0x8000, $0x38;
	[tilespmem:$0x16400] =	vst v63  }
0x3b: {  	_ =	swait.ge [sflag:s10], $0x8000  }
0x3c: {  	[sflag:s10] =	ssyncset.done $0x0  }
0x3d: {  	s26 =	simm.s32 $0x400;
	[sflag:s10] =	ssyncadd.s32 $0xFFFF8000  }
0x3e: {  	[tilespmem:s22], [sflag:$0x1] =	stream.indirect.gather [hbm4b:s5+s21], $0x40, s26, s21, $0xb8;
	[tilespmem:$0x16400] =	vst v63  }
0x3f: {  	s11 =	simm.s32 $0x480  }
0x40: {  	[tilespmem:s23], [sflag:$0x1] =	stream.indirect.gather [hbm4b:s5+s21], $0x40, s11, s21, $0xb8;
	[tilespmem:$0x16400] =	vst v63  }
0x41: {  	s12 =	simm.s32 $0x500  }
0x42: {  	[tilespmem:s25], [sflag:$0x1] =	stream.indirect.gather [hbm4b:s5+s21], $0x40, s12, s21, $0xb8;
	[tilespmem:$0x16400] =	vst v63  }
0x43: {  	s13 =	simm.s32 $0x580  }
0x44: {  	[tilespmem:s28], [sflag:$0x1] =	stream.indirect.gather [hbm4b:s5+s21], $0x40, s13, s21, $0xb8;
	[tilespmem:$0x16400] =	vst v63  }
0x45: {  	_ =	swait.ge [sflag:s15], $0x2000  }
0x46: {  	[sflag:s15] =	ssyncset.done $0x0  }
0x47: {  	[sflag:s15] =	ssyncadd.s32 $0xFFFFE000  }
0x48: {  	_ =	swait.ge [sflag:s15], $0x2000  }
0x49: {  	[sflag:s15] =	ssyncset.done $0x0  }
0x4a: {  	[sflag:s15] =	ssyncadd.s32 $0xFFFFE000  }
0x4b: {  	_ =	swait.ge [sflag:s15], $0x2000  }
0x4c: {  	[sflag:s15] =	ssyncset.done $0x0  }
0x4d: {  	[sflag:s15] =	ssyncadd.s32 $0xFFFFE000  }
0x4e: {  	_ =	swait.ge [sflag:s15], $0x2000  }
0x4f: {  	[sflag:s15] =	ssyncset.done $0x0  }
0x50: {  	s16 =	rddreg [dreg:$0x8];
	[sflag:s15] =	ssyncadd.s32 $0xFFFFE000  }
0x51: {  	[hbm4b:s16+s4] =	stream.linear.scatter [tilespmem:s30], [sflag:$0x4], $0x8000, $0x38;
	[tilespmem:$0x16400] =	vst v63  }
0x52: {  	_ =	swait.ge [sflag:s24], $0x8000  }
0x53: {  	[sflag:s24] =	ssyncset.done $0x0  }
0x54: {  	s18 =	simm.s32 $0x600;
	[sflag:s24] =	ssyncadd.s32 $0xFFFF8000  }
0x55: {  	[tilespmem:s30], [sflag:$0x2] =	stream.indirect.gather [hbm4b:s5+s21], $0x40, s18, s21, $0xb8;
	[tilespmem:$0x16400] =	vst v63  }
0x56: {  	s26 =	simm.s32 $0x680  }
0x57: {  	[tilespmem:s1], [sflag:$0x2] =	stream.indirect.gather [hbm4b:s5+s21], $0x40, s26, s21, $0xb8;
	[tilespmem:$0x16400] =	vst v63  }
0x58: {  	s11 =	simm.s32 $0x700  }
0x59: {  	[tilespmem:s6], [sflag:$0x2] =	stream.indirect.gather [hbm4b:s5+s21], $0x40, s11, s21, $0xb8;
	[tilespmem:$0x16400] =	vst v63  }
0x5a: {  	s12 =	simm.s32 $0x780  }
0x5b: {  	[tilespmem:s8], [sflag:$0x2] =	stream.indirect.gather [hbm4b:s5+s21], $0x40, s12, s21, $0xb8;
	[tilespmem:$0x16400] =	vst v63  }
0x5c: {  	_ =	swait.ge [sflag:s9], $0x2000  }
0x5d: {  	[sflag:s9] =	ssyncset.done $0x0  }
0x5e: {  	[sflag:s9] =	ssyncadd.s32 $0xFFFFE000  }
0x5f: {  	_ =	swait.ge [sflag:s9], $0x2000  }
0x60: {  	[sflag:s9] =	ssyncset.done $0x0  }
0x61: {  	[sflag:s9] =	ssyncadd.s32 $0xFFFFE000  }
0x62: {  	_ =	swait.ge [sflag:s9], $0x2000  }
0x63: {  	[sflag:s9] =	ssyncset.done $0x0  }
0x64: {  	[sflag:s9] =	ssyncadd.s32 $0xFFFFE000  }
0x65: {  	_ =	swait.ge [sflag:s9], $0x2000  }
0x66: {  	s7 =	sshrl.u32 s17, $0x3;
	[sflag:s9] =	ssyncset.done $0x0  }
0x67: {  	s11 =	sadd.s32 s2, s7;
	[sflag:s9] =	ssyncadd.s32 $0xFFFFE000  }
0x68: {  	[hbm4b:s11+s4] =	stream.linear.scatter [tilespmem:s22], [sflag:$0x3], $0x8000, $0x38;
	[tilespmem:$0x16400] =	vst v63  }
0x69: {  	_ =	swait.ge [sflag:s10], $0x8000  }
0x6a: {  	[sflag:s10] =	ssyncset.done $0x0  }
0x6b: {  	s13 =	simm.s32 $0x800;
	[sflag:s10] =	ssyncadd.s32 $0xFFFF8000  }
0x6c: {  	[tilespmem:s22], [sflag:$0x1] =	stream.indirect.gather [hbm4b:s5+s21], $0x40, s13, s21, $0xb8;
	[tilespmem:$0x16400] =	vst v63  }
0x6d: {  	s16 =	simm.s32 $0x880  }
0x6e: {  	[tilespmem:s23], [sflag:$0x1] =	stream.indirect.gather [hbm4b:s5+s21], $0x40, s16, s21, $0xb8;
	[tilespmem:$0x16400] =	vst v63  }
0x6f: {  	s18 =	simm.s32 $0x900  }
0x70: {  	[tilespmem:s25], [sflag:$0x1] =	stream.indirect.gather [hbm4b:s5+s21], $0x40, s18, s21, $0xb8;
	[tilespmem:$0x16400] =	vst v63  }
0x71: {  	s26 =	simm.s32 $0x980  }
0x72: {  	[tilespmem:s28], [sflag:$0x1] =	stream.indirect.gather [hbm4b:s5+s21], $0x40, s26, s21, $0xb8;
	[tilespmem:$0x16400] =	vst v63  }
0x73: {  	_ =	swait.ge [sflag:s15], $0x2000  }
0x74: {  	[sflag:s15] =	ssyncset.done $0x0  }
0x75: {  	[sflag:s15] =	ssyncadd.s32 $0xFFFFE000  }
0x76: {  	_ =	swait.ge [sflag:s15], $0x2000  }
0x77: {  	[sflag:s15] =	ssyncset.done $0x0  }
0x78: {  	[sflag:s15] =	ssyncadd.s32 $0xFFFFE000  }
0x79: {  	_ =	swait.ge [sflag:s15], $0x2000  }
0x7a: {  	[sflag:s15] =	ssyncset.done $0x0  }
0x7b: {  	[sflag:s15] =	ssyncadd.s32 $0xFFFFE000  }
0x7c: {  	_ =	swait.ge [sflag:s15], $0x2000  }
0x7d: {  	s12 =	sadd.s32 $0x10000, s17;
	s11 =	simm.s32 $0x1000;
	[sflag:s15] =	ssyncset.done $0x0  }
0x7e: {  	s13 =	sadd.s32 $0x2000, s14;
	s18 =	smov.u32 s14;
	[sflag:s15] =	ssyncadd.s32 $0xFFFFE000  }
.LBB2_2:
0x7f: {  	[hbm4b:s18+s4] =	stream.linear.scatter [tilespmem:s30], [sflag:$0x4], $0x8000, $0x38;
	[tilespmem:$0x16400] =	vst v63  }
0x80: {  	s16 =	smov.u32 s11;
	s18 =	smov.u32 s13  }
0x81: {  	p0 =	sne.s32 s11, $0x16000;
	s11 =	sadd.s32 $0x1000, s11;
	_ =	swait.ge [sflag:s24], $0x8000  }
0x82: {  	s16 =	sshra.s32 s16, $0x2;
	[sflag:s24] =	ssyncset.done $0x0  }
0x83: {  	s26 =	sadd.s32 $0x600, s16;
	[sflag:s24] =	ssyncadd.s32 $0xFFFF8000  }
0x84: {  	[tilespmem:s30], [sflag:$0x2] =	stream.indirect.gather [hbm4b:s5+s21], $0x40, s26, s21, $0xb8;
	[tilespmem:$0x16400] =	vst v63  }
0x85: {  	s26 =	sadd.s32 $0x680, s16  }
0x86: {  	[tilespmem:s1], [sflag:$0x2] =	stream.indirect.gather [hbm4b:s5+s21], $0x40, s26, s21, $0xb8;
	[tilespmem:$0x16400] =	vst v63  }
0x87: {  	s26 =	sadd.s32 $0x700, s16  }
0x88: {  	[tilespmem:s6], [sflag:$0x2] =	stream.indirect.gather [hbm4b:s5+s21], $0x40, s26, s21, $0xb8;
	[tilespmem:$0x16400] =	vst v63  }
0x89: {  	s26 =	sadd.s32 $0x780, s16  }
0x8a: {  	[tilespmem:s8], [sflag:$0x2] =	stream.indirect.gather [hbm4b:s5+s21], $0x40, s26, s21, $0xb8;
	[tilespmem:$0x16400] =	vst v63  }
0x8b: {  	_ =	swait.ge [sflag:s9], $0x2000  }
0x8c: {  	[sflag:s9] =	ssyncset.done $0x0  }
0x8d: {  	[sflag:s9] =	ssyncadd.s32 $0xFFFFE000  }
0x8e: {  	_ =	swait.ge [sflag:s9], $0x2000  }
0x8f: {  	[sflag:s9] =	ssyncset.done $0x0  }
0x90: {  	[sflag:s9] =	ssyncadd.s32 $0xFFFFE000  }
0x91: {  	_ =	swait.ge [sflag:s9], $0x2000  }
0x92: {  	[sflag:s9] =	ssyncset.done $0x0  }
0x93: {  	[sflag:s9] =	ssyncadd.s32 $0xFFFFE000  }
0x94: {  	_ =	swait.ge [sflag:s9], $0x2000  }
0x95: {  	s26 =	sshrl.u32 s12, $0x3;
	[sflag:s9] =	ssyncset.done $0x0  }
0x96: {  	s26 =	sadd.s32 s2, s26;
	[sflag:s9] =	ssyncadd.s32 $0xFFFFE000  }
0x97: {  	[hbm4b:s26+s4] =	stream.linear.scatter [tilespmem:s22], [sflag:$0x3], $0x8000, $0x38;
	[tilespmem:$0x16400] =	vst v63  }
0x98: {  	_ =	swait.ge [sflag:s10], $0x8000  }
0x99: {  	[sflag:s10] =	ssyncset.done $0x0  }
0x9a: {  	s26 =	sadd.s32 $0x800, s16;
	[sflag:s10] =	ssyncadd.s32 $0xFFFF8000  }
0x9b: {  	[tilespmem:s22], [sflag:$0x1] =	stream.indirect.gather [hbm4b:s5+s21], $0x40, s26, s21, $0xb8;
	[tilespmem:$0x16400] =	vst v63  }
0x9c: {  	s26 =	sadd.s32 $0x880, s16  }
0x9d: {  	[tilespmem:s23], [sflag:$0x1] =	stream.indirect.gather [hbm4b:s5+s21], $0x40, s26, s21, $0xb8;
	[tilespmem:$0x16400] =	vst v63  }
0x9e: {  	s26 =	sadd.s32 $0x900, s16  }
0x9f: {  	[tilespmem:s25], [sflag:$0x1] =	stream.indirect.gather [hbm4b:s5+s21], $0x40, s26, s21, $0xb8;
	[tilespmem:$0x16400] =	vst v63  }
0xa0: {  	s16 =	sadd.s32 $0x980, s16  }
0xa1: {  	[tilespmem:s28], [sflag:$0x1] =	stream.indirect.gather [hbm4b:s5+s21], $0x40, s16, s21, $0xb8;
	[tilespmem:$0x16400] =	vst v63  }
0xa2: {  	_ =	swait.ge [sflag:s15], $0x2000  }
0xa3: {  	[sflag:s15] =	ssyncset.done $0x0  }
0xa4: {  	[sflag:s15] =	ssyncadd.s32 $0xFFFFE000  }
0xa5: {  	_ =	swait.ge [sflag:s15], $0x2000  }
0xa6: {  	[sflag:s15] =	ssyncset.done $0x0  }
0xa7: {  	[sflag:s15] =	ssyncadd.s32 $0xFFFFE000  }
0xa8: {  	_ =	swait.ge [sflag:s15], $0x2000  }
.Ltmp0:
0xa9: {  	[sflag:s15] =	ssyncset.done $0x0;
	(pc) =	sbr.rel @p0 .LBB2_2-.Ltmp0, $4  }
0xaa: {  	[sflag:s15] =	ssyncadd.s32 $0xFFFFE000  }
0xab: {  	_ =	swait.ge [sflag:s15], $0x2000  }
0xac: {  	[sflag:s15] =	ssyncset.done $0x0  }
0xad: {  	s13 =	sadd.s32 $0x2000, s13;
	s12 =	sadd.s32 $0x10000, s12;
	[sflag:s15] =	ssyncadd.s32 $0xFFFFE000  }
0xae: {  	[hbm4b:s18+s4] =	stream.linear.scatter [tilespmem:s30], [sflag:$0x4], $0x8000, $0x38;
	[tilespmem:$0x16400] =	vst v63  }
0xaf: {  	_ =	swait.ge [sflag:s24], $0x8000  }
0xb0: {  	[sflag:s24] =	ssyncset.done $0x0  }
0xb1: {  	s11 =	simm.s32 $0x6200;
	[sflag:s24] =	ssyncadd.s32 $0xFFFF8000  }
0xb2: {  	[tilespmem:s30], [sflag:$0x2] =	stream.indirect.gather [hbm4b:s5+s21], $0x40, s11, s21, $0xb8;
	[tilespmem:$0x16400] =	vst v63  }
0xb3: {  	s18 =	simm.s32 $0x6280  }
0xb4: {  	[tilespmem:s1], [sflag:$0x2] =	stream.indirect.gather [hbm4b:s5+s21], $0x40, s18, s21, $0xb8;
	[tilespmem:$0x16400] =	vst v63  }
0xb5: {  	_ = 	snop  }
0xb6: {  	[tilespmem:s6], [sflag:$0x2] =	stream.indirect.gather [hbm4b:s5+s21], $0x40, s29, s21, $0xb8;
	[tilespmem:$0x16400] =	vst v63  }
0xb7: {  	_ = 	snop  }
0xb8: {  	[tilespmem:s8], [sflag:$0x2] =	stream.indirect.gather [hbm4b:s5+s21], $0x40, s31, s21, $0xb8;
	[tilespmem:$0x16400] =	vst v63  }
0xb9: {  	_ =	swait.ge [sflag:s9], $0x2000  }
0xba: {  	[sflag:s9] =	ssyncset.done $0x0  }
0xbb: {  	[sflag:s9] =	ssyncadd.s32 $0xFFFFE000  }
0xbc: {  	_ =	swait.ge [sflag:s9], $0x2000  }
0xbd: {  	[sflag:s9] =	ssyncset.done $0x0  }
0xbe: {  	[sflag:s9] =	ssyncadd.s32 $0xFFFFE000  }
0xbf: {  	_ =	swait.ge [sflag:s9], $0x2000  }
0xc0: {  	[sflag:s9] =	ssyncset.done $0x0  }
0xc1: {  	[sflag:s9] =	ssyncadd.s32 $0xFFFFE000  }
0xc2: {  	_ =	swait.ge [sflag:s9], $0x2000  }
0xc3: {  	[sflag:s9] =	ssyncset.done $0x0  }
0xc4: {  	s11 =	simm.s32 $0x0;
	s12 =	rddreg [dreg:$0xb];
	[sflag:s9] =	ssyncadd.s32 $0xFFFFE000  }
0xc5: {  	[hbm4b:s12+s11] =	stream.linear.scatter [tilespmem:s22], [sflag:$0x3], $0x8000, $0x38;
	[tilespmem:$0x16400] =	vst v63  }
0xc6: {  	_ =	swait.ge [sflag:s15], $0x2000  }
0xc7: {  	[sflag:s15] =	ssyncset.done $0x0  }
0xc8: {  	[sflag:s15] =	ssyncadd.s32 $0xFFFFE000  }
0xc9: {  	_ =	swait.ge [sflag:s15], $0x2000  }
0xca: {  	[sflag:s15] =	ssyncset.done $0x0  }
0xcb: {  	[sflag:s15] =	ssyncadd.s32 $0xFFFFE000  }
0xcc: {  	_ =	swait.ge [sflag:s15], $0x2000  }
0xcd: {  	[sflag:s15] =	ssyncset.done $0x0  }
0xce: {  	[sflag:s15] =	ssyncadd.s32 $0xFFFFE000  }
0xcf: {  	_ =	swait.ge [sflag:s15], $0x2000  }
0xd0: {  	[sflag:s15] =	ssyncset.done $0x0  }
0xd1: {  	s26 =	rddreg [dreg:$0xc];
	[sflag:s15] =	ssyncadd.s32 $0xFFFFE000  }
0xd2: {  	[hbm4b:s26+s11] =	stream.linear.scatter [tilespmem:s30], [sflag:$0x4], $0x8000, $0x38;
	[tilespmem:$0x16400] =	vst v63  }
0xd3: {  	_ =	swait.ge [sflag:s10], $0x8000  }
0xd4: {  	[sflag:s10] =	ssyncset.done $0x0  }
0xd5: {  	[sflag:s10] =	ssyncadd.s32 $0xFFFF8000  }
0xd6: {  	_ =	swait.ge [sflag:s24], $0x8000  }
0xd7: {  	[sflag:s24] =	ssyncset.done $0x0  }
0xd8: {  	s13 =	rddreg [dreg:$0x5];
	[sflag:s24] =	ssyncadd.s32 $0xFFFF8000  }
0xd9: {  	[tilespmem:s11], [sflag:$0x5] =	stream.linear.gather [hbm4b:s13+s11], $0x6400, $0x38;
	[tilespmem:$0x16400] =	vst v63  }
0xda: {  	_ =	swait.ge [sflag:s20], $0x6400  }
0xdb: {  	[sflag:s20] =	ssyncset.done $0x0  }
0xdc: {  	[sflag:s20] =	ssyncadd.s32 $0xFFFF9C00  }
0xdd: {  	[tilespmem:s22], [sflag:$0x1] =	stream.indirect.gather [hbm4b:s5+s21], $0x40, s11, s21, $0xb8;
	[tilespmem:$0x16400] =	vst v63  }
0xde: {  	_ = 	snop  }
0xdf: {  	[tilespmem:s23], [sflag:$0x1] =	stream.indirect.gather [hbm4b:s5+s21], $0x40, s21, s21, $0xb8;
	[tilespmem:$0x16400] =	vst v63  }
0xe0: {  	s26 =	simm.s32 $0x100  }
0xe1: {  	[tilespmem:s25], [sflag:$0x1] =	stream.indirect.gather [hbm4b:s5+s21], $0x40, s26, s21, $0xb8;
	[tilespmem:$0x16400] =	vst v63  }
0xe2: {  	s16 =	simm.s32 $0x180  }
0xe3: {  	[tilespmem:s28], [sflag:$0x1] =	stream.indirect.gather [hbm4b:s5+s21], $0x40, s16, s21, $0xb8;
	[tilespmem:$0x16400] =	vst v63  }
0xe4: {  	s18 =	simm.s32 $0x200  }
0xe5: {  	[tilespmem:s30], [sflag:$0x2] =	stream.indirect.gather [hbm4b:s5+s21], $0x40, s18, s21, $0xb8;
	[tilespmem:$0x16400] =	vst v63  }
0xe6: {  	s13 =	simm.s32 $0x280  }
0xe7: {  	[tilespmem:s1], [sflag:$0x2] =	stream.indirect.gather [hbm4b:s5+s21], $0x40, s13, s21, $0xb8;
	[tilespmem:$0x16400] =	vst v63  }
0xe8: {  	s16 =	simm.s32 $0x300  }
0xe9: {  	[tilespmem:s6], [sflag:$0x2] =	stream.indirect.gather [hbm4b:s5+s21], $0x40, s16, s21, $0xb8;
	[tilespmem:$0x16400] =	vst v63  }
0xea: {  	s18 =	simm.s32 $0x380  }
0xeb: {  	[tilespmem:s8], [sflag:$0x2] =	stream.indirect.gather [hbm4b:s5+s21], $0x40, s18, s21, $0xb8;
	[tilespmem:$0x16400] =	vst v63  }
0xec: {  	_ =	swait.ge [sflag:s9], $0x2000  }
0xed: {  	[sflag:s9] =	ssyncset.done $0x0  }
0xee: {  	[sflag:s9] =	ssyncadd.s32 $0xFFFFE000  }
0xef: {  	_ =	swait.ge [sflag:s9], $0x2000  }
0xf0: {  	[sflag:s9] =	ssyncset.done $0x0  }
0xf1: {  	[sflag:s9] =	ssyncadd.s32 $0xFFFFE000  }
0xf2: {  	_ =	swait.ge [sflag:s9], $0x2000  }
0xf3: {  	[sflag:s9] =	ssyncset.done $0x0  }
0xf4: {  	[sflag:s9] =	ssyncadd.s32 $0xFFFFE000  }
0xf5: {  	_ =	swait.ge [sflag:s9], $0x2000  }
0xf6: {  	[sflag:s9] =	ssyncset.done $0x0  }
0xf7: {  	s13 =	rddreg [dreg:$0x9];
	[sflag:s9] =	ssyncadd.s32 $0xFFFFE000  }
0xf8: {  	[hbm4b:s13+s11] =	stream.linear.scatter [tilespmem:s22], [sflag:$0x3], $0x8000, $0x38;
	[tilespmem:$0x16400] =	vst v63  }
0xf9: {  	_ =	swait.ge [sflag:s10], $0x8000  }
0xfa: {  	[sflag:s10] =	ssyncset.done $0x0  }
0xfb: {  	s16 =	simm.s32 $0x400;
	[sflag:s10] =	ssyncadd.s32 $0xFFFF8000  }
0xfc: {  	[tilespmem:s22], [sflag:$0x1] =	stream.indirect.gather [hbm4b:s5+s21], $0x40, s16, s21, $0xb8;
	[tilespmem:$0x16400] =	vst v63  }
0xfd: {  	s18 =	simm.s32 $0x480  }
0xfe: {  	[tilespmem:s23], [sflag:$0x1] =	stream.indirect.gather [hbm4b:s5+s21], $0x40, s18, s21, $0xb8;
	[tilespmem:$0x16400] =	vst v63  }
0xff: {  	s13 =	simm.s32 $0x500  }
0x100: {  	[tilespmem:s25], [sflag:$0x1] =	stream.indirect.gather [hbm4b:s5+s21], $0x40, s13, s21, $0xb8;
	[tilespmem:$0x16400] =	vst v63  }
0x101: {  	s16 =	simm.s32 $0x580  }
0x102: {  	[tilespmem:s28], [sflag:$0x1] =	stream.indirect.gather [hbm4b:s5+s21], $0x40, s16, s21, $0xb8;
	[tilespmem:$0x16400] =	vst v63  }
0x103: {  	_ =	swait.ge [sflag:s15], $0x2000  }
0x104: {  	[sflag:s15] =	ssyncset.done $0x0  }
0x105: {  	[sflag:s15] =	ssyncadd.s32 $0xFFFFE000  }
0x106: {  	_ =	swait.ge [sflag:s15], $0x2000  }
0x107: {  	[sflag:s15] =	ssyncset.done $0x0  }
0x108: {  	[sflag:s15] =	ssyncadd.s32 $0xFFFFE000  }
0x109: {  	_ =	swait.ge [sflag:s15], $0x2000  }
0x10a: {  	[sflag:s15] =	ssyncset.done $0x0  }
0x10b: {  	[sflag:s15] =	ssyncadd.s32 $0xFFFFE000  }
0x10c: {  	_ =	swait.ge [sflag:s15], $0x2000  }
0x10d: {  	[sflag:s15] =	ssyncset.done $0x0  }
0x10e: {  	s18 =	rddreg [dreg:$0xa];
	[sflag:s15] =	ssyncadd.s32 $0xFFFFE000  }
0x10f: {  	[hbm4b:s18+s11] =	stream.linear.scatter [tilespmem:s30], [sflag:$0x4], $0x8000, $0x38;
	[tilespmem:$0x16400] =	vst v63  }
0x110: {  	_ =	swait.ge [sflag:s24], $0x8000  }
0x111: {  	[sflag:s24] =	ssyncset.done $0x0  }
0x112: {  	s12 =	simm.s32 $0x600;
	[sflag:s24] =	ssyncadd.s32 $0xFFFF8000  }
0x113: {  	[tilespmem:s30], [sflag:$0x2] =	stream.indirect.gather [hbm4b:s5+s21], $0x40, s12, s21, $0xb8;
	[tilespmem:$0x16400] =	vst v63  }
0x114: {  	s13 =	simm.s32 $0x680  }
0x115: {  	[tilespmem:s1], [sflag:$0x2] =	stream.indirect.gather [hbm4b:s5+s21], $0x40, s13, s21, $0xb8;
	[tilespmem:$0x16400] =	vst v63  }
0x116: {  	s16 =	simm.s32 $0x700  }
0x117: {  	[tilespmem:s6], [sflag:$0x2] =	stream.indirect.gather [hbm4b:s5+s21], $0x40, s16, s21, $0xb8;
	[tilespmem:$0x16400] =	vst v63  }
0x118: {  	s18 =	simm.s32 $0x780  }
0x119: {  	[tilespmem:s8], [sflag:$0x2] =	stream.indirect.gather [hbm4b:s5+s21], $0x40, s18, s21, $0xb8;
	[tilespmem:$0x16400] =	vst v63  }
0x11a: {  	_ =	swait.ge [sflag:s9], $0x2000  }
0x11b: {  	[sflag:s9] =	ssyncset.done $0x0  }
0x11c: {  	[sflag:s9] =	ssyncadd.s32 $0xFFFFE000  }
0x11d: {  	_ =	swait.ge [sflag:s9], $0x2000  }
0x11e: {  	[sflag:s9] =	ssyncset.done $0x0  }
0x11f: {  	[sflag:s9] =	ssyncadd.s32 $0xFFFFE000  }
0x120: {  	_ =	swait.ge [sflag:s9], $0x2000  }
0x121: {  	[sflag:s9] =	ssyncset.done $0x0  }
0x122: {  	[sflag:s9] =	ssyncadd.s32 $0xFFFFE000  }
0x123: {  	_ =	swait.ge [sflag:s9], $0x2000  }
0x124: {  	[sflag:s9] =	ssyncset.done $0x0  }
0x125: {  	s7 =	sadd.s32 s3, s7;
	[sflag:s9] =	ssyncadd.s32 $0xFFFFE000  }
0x126: {  	[hbm4b:s7+s4] =	stream.linear.scatter [tilespmem:s22], [sflag:$0x3], $0x8000, $0x38;
	[tilespmem:$0x16400] =	vst v63  }
0x127: {  	_ =	swait.ge [sflag:s10], $0x8000  }
0x128: {  	[sflag:s10] =	ssyncset.done $0x0  }
0x129: {  	s12 =	simm.s32 $0x800;
	[sflag:s10] =	ssyncadd.s32 $0xFFFF8000  }
0x12a: {  	[tilespmem:s22], [sflag:$0x1] =	stream.indirect.gather [hbm4b:s5+s21], $0x40, s12, s21, $0xb8;
	[tilespmem:$0x16400] =	vst v63  }
0x12b: {  	s13 =	simm.s32 $0x880  }
0x12c: {  	[tilespmem:s23], [sflag:$0x1] =	stream.indirect.gather [hbm4b:s5+s21], $0x40, s13, s21, $0xb8;
	[tilespmem:$0x16400] =	vst v63  }
0x12d: {  	s16 =	simm.s32 $0x900  }
0x12e: {  	[tilespmem:s25], [sflag:$0x1] =	stream.indirect.gather [hbm4b:s5+s21], $0x40, s16, s21, $0xb8;
	[tilespmem:$0x16400] =	vst v63  }
0x12f: {  	s18 =	simm.s32 $0x980  }
0x130: {  	[tilespmem:s28], [sflag:$0x1] =	stream.indirect.gather [hbm4b:s5+s21], $0x40, s18, s21, $0xb8;
	[tilespmem:$0x16400] =	vst v63  }
0x131: {  	_ =	swait.ge [sflag:s15], $0x2000  }
0x132: {  	[sflag:s15] =	ssyncset.done $0x0  }
0x133: {  	[sflag:s15] =	ssyncadd.s32 $0xFFFFE000  }
0x134: {  	_ =	swait.ge [sflag:s15], $0x2000  }
0x135: {  	[sflag:s15] =	ssyncset.done $0x0  }
0x136: {  	[sflag:s15] =	ssyncadd.s32 $0xFFFFE000  }
0x137: {  	_ =	swait.ge [sflag:s15], $0x2000  }
0x138: {  	[sflag:s15] =	ssyncset.done $0x0  }
0x139: {  	[sflag:s15] =	ssyncadd.s32 $0xFFFFE000  }
0x13a: {  	_ =	swait.ge [sflag:s15], $0x2000  }
0x13b: {  	s11 =	sadd.s32 $0x10000, s17;
	s7 =	simm.s32 $0x1000;
	[sflag:s15] =	ssyncset.done $0x0  }
0x13c: {  	s12 =	sadd.s32 $0x2000, s19;
	s13 =	smov.u32 s19;
	[sflag:s15] =	ssyncadd.s32 $0xFFFFE000  }
.LBB2_4:
0x13d: {  	[hbm4b:s13+s4] =	stream.linear.scatter [tilespmem:s30], [sflag:$0x4], $0x8000, $0x38;
	[tilespmem:$0x16400] =	vst v63  }
0x13e: {  	s16 =	smov.u32 s7;
	s13 =	smov.u32 s12  }
0x13f: {  	p0 =	sne.s32 s7, $0x16000;
	s7 =	sadd.s32 $0x1000, s7;
	_ =	swait.ge [sflag:s24], $0x8000  }
0x140: {  	s16 =	sshra.s32 s16, $0x2;
	[sflag:s24] =	ssyncset.done $0x0  }
0x141: {  	s18 =	sadd.s32 $0x600, s16;
	[sflag:s24] =	ssyncadd.s32 $0xFFFF8000  }
0x142: {  	[tilespmem:s30], [sflag:$0x2] =	stream.indirect.gather [hbm4b:s5+s21], $0x40, s18, s21, $0xb8;
	[tilespmem:$0x16400] =	vst v63  }
0x143: {  	s18 =	sadd.s32 $0x680, s16  }
0x144: {  	[tilespmem:s1], [sflag:$0x2] =	stream.indirect.gather [hbm4b:s5+s21], $0x40, s18, s21, $0xb8;
	[tilespmem:$0x16400] =	vst v63  }
0x145: {  	s18 =	sadd.s32 $0x700, s16  }
0x146: {  	[tilespmem:s6], [sflag:$0x2] =	stream.indirect.gather [hbm4b:s5+s21], $0x40, s18, s21, $0xb8;
	[tilespmem:$0x16400] =	vst v63  }
0x147: {  	s18 =	sadd.s32 $0x780, s16  }
0x148: {  	[tilespmem:s8], [sflag:$0x2] =	stream.indirect.gather [hbm4b:s5+s21], $0x40, s18, s21, $0xb8;
	[tilespmem:$0x16400] =	vst v63  }
0x149: {  	_ =	swait.ge [sflag:s9], $0x2000  }
0x14a: {  	[sflag:s9] =	ssyncset.done $0x0  }
0x14b: {  	[sflag:s9] =	ssyncadd.s32 $0xFFFFE000  }
0x14c: {  	_ =	swait.ge [sflag:s9], $0x2000  }
0x14d: {  	[sflag:s9] =	ssyncset.done $0x0  }
0x14e: {  	[sflag:s9] =	ssyncadd.s32 $0xFFFFE000  }
0x14f: {  	_ =	swait.ge [sflag:s9], $0x2000  }
0x150: {  	[sflag:s9] =	ssyncset.done $0x0  }
0x151: {  	[sflag:s9] =	ssyncadd.s32 $0xFFFFE000  }
0x152: {  	_ =	swait.ge [sflag:s9], $0x2000  }
0x153: {  	s18 =	sshrl.u32 s11, $0x3;
	[sflag:s9] =	ssyncset.done $0x0  }
0x154: {  	s18 =	sadd.s32 s3, s18;
	[sflag:s9] =	ssyncadd.s32 $0xFFFFE000  }
0x155: {  	[hbm4b:s18+s4] =	stream.linear.scatter [tilespmem:s22], [sflag:$0x3], $0x8000, $0x38;
	[tilespmem:$0x16400] =	vst v63  }
0x156: {  	_ =	swait.ge [sflag:s10], $0x8000  }
0x157: {  	[sflag:s10] =	ssyncset.done $0x0  }
0x158: {  	s18 =	sadd.s32 $0x800, s16;
	[sflag:s10] =	ssyncadd.s32 $0xFFFF8000  }
0x159: {  	[tilespmem:s22], [sflag:$0x1] =	stream.indirect.gather [hbm4b:s5+s21], $0x40, s18, s21, $0xb8;
	[tilespmem:$0x16400] =	vst v63  }
0x15a: {  	s18 =	sadd.s32 $0x880, s16  }
0x15b: {  	[tilespmem:s23], [sflag:$0x1] =	stream.indirect.gather [hbm4b:s5+s21], $0x40, s18, s21, $0xb8;
	[tilespmem:$0x16400] =	vst v63  }
0x15c: {  	s18 =	sadd.s32 $0x900, s16  }
0x15d: {  	[tilespmem:s25], [sflag:$0x1] =	stream.indirect.gather [hbm4b:s5+s21], $0x40, s18, s21, $0xb8;
	[tilespmem:$0x16400] =	vst v63  }
0x15e: {  	s16 =	sadd.s32 $0x980, s16  }
0x15f: {  	[tilespmem:s28], [sflag:$0x1] =	stream.indirect.gather [hbm4b:s5+s21], $0x40, s16, s21, $0xb8;
	[tilespmem:$0x16400] =	vst v63  }
0x160: {  	_ =	swait.ge [sflag:s15], $0x2000  }
0x161: {  	[sflag:s15] =	ssyncset.done $0x0  }
0x162: {  	[sflag:s15] =	ssyncadd.s32 $0xFFFFE000  }
0x163: {  	_ =	swait.ge [sflag:s15], $0x2000  }
0x164: {  	[sflag:s15] =	ssyncset.done $0x0  }
0x165: {  	[sflag:s15] =	ssyncadd.s32 $0xFFFFE000  }
0x166: {  	_ =	swait.ge [sflag:s15], $0x2000  }
.Ltmp1:
0x167: {  	[sflag:s15] =	ssyncset.done $0x0;
	(pc) =	sbr.rel @p0 .LBB2_4-.Ltmp1, $4  }
0x168: {  	[sflag:s15] =	ssyncadd.s32 $0xFFFFE000  }
0x169: {  	_ =	swait.ge [sflag:s15], $0x2000  }
0x16a: {  	[sflag:s15] =	ssyncset.done $0x0  }
0x16b: {  	s12 =	sadd.s32 $0x2000, s12;
	s11 =	sadd.s32 $0x10000, s11;
	[sflag:s15] =	ssyncadd.s32 $0xFFFFE000  }
0x16c: {  	[hbm4b:s13+s4] =	stream.linear.scatter [tilespmem:s30], [sflag:$0x4], $0x8000, $0x38;
	[tilespmem:$0x16400] =	vst v63  }
0x16d: {  	_ =	swait.ge [sflag:s24], $0x8000  }
0x16e: {  	[sflag:s24] =	ssyncset.done $0x0  }
0x16f: {  	s7 =	simm.s32 $0x6200;
	[sflag:s24] =	ssyncadd.s32 $0xFFFF8000  }
0x170: {  	[tilespmem:s30], [sflag:$0x2] =	stream.indirect.gather [hbm4b:s5+s21], $0x40, s7, s21, $0xb8;
	[tilespmem:$0x16400] =	vst v63  }
0x171: {  	s12 =	simm.s32 $0x6280  }
0x172: {  	[tilespmem:s1], [sflag:$0x2] =	stream.indirect.gather [hbm4b:s5+s21], $0x40, s12, s21, $0xb8;
	[tilespmem:$0x16400] =	vst v63  }
0x173: {  	_ = 	snop  }
0x174: {  	[tilespmem:s6], [sflag:$0x2] =	stream.indirect.gather [hbm4b:s5+s21], $0x40, s29, s21, $0xb8;
	[tilespmem:$0x16400] =	vst v63  }
0x175: {  	_ = 	snop  }
0x176: {  	[tilespmem:s8], [sflag:$0x2] =	stream.indirect.gather [hbm4b:s5+s21], $0x40, s31, s21, $0xb8;
	[tilespmem:$0x16400] =	vst v63  }
0x177: {  	_ =	swait.ge [sflag:s9], $0x2000  }
0x178: {  	[sflag:s9] =	ssyncset.done $0x0  }
0x179: {  	[sflag:s9] =	ssyncadd.s32 $0xFFFFE000  }
0x17a: {  	_ =	swait.ge [sflag:s9], $0x2000  }
0x17b: {  	[sflag:s9] =	ssyncset.done $0x0  }
0x17c: {  	[sflag:s9] =	ssyncadd.s32 $0xFFFFE000  }
0x17d: {  	_ =	swait.ge [sflag:s9], $0x2000  }
0x17e: {  	[sflag:s9] =	ssyncset.done $0x0  }
0x17f: {  	[sflag:s9] =	ssyncadd.s32 $0xFFFFE000  }
0x180: {  	_ =	swait.ge [sflag:s9], $0x2000  }
0x181: {  	[sflag:s9] =	ssyncset.done $0x0  }
0x182: {  	s13 =	rddreg [dreg:$0xd];
	[sflag:s9] =	ssyncadd.s32 $0xFFFFE000  }
0x183: {  	[hbm4b:s13+s4] =	stream.linear.scatter [tilespmem:s22], [sflag:$0x3], $0x8000, $0x38;
	[tilespmem:$0x16400] =	vst v63  }
0x184: {  	_ =	swait.ge [sflag:s15], $0x2000  }
0x185: {  	[sflag:s15] =	ssyncset.done $0x0  }
0x186: {  	[sflag:s15] =	ssyncadd.s32 $0xFFFFE000  }
0x187: {  	_ =	swait.ge [sflag:s15], $0x2000  }
0x188: {  	[sflag:s15] =	ssyncset.done $0x0  }
0x189: {  	[sflag:s15] =	ssyncadd.s32 $0xFFFFE000  }
0x18a: {  	_ =	swait.ge [sflag:s15], $0x2000  }
0x18b: {  	[sflag:s15] =	ssyncset.done $0x0  }
0x18c: {  	[sflag:s15] =	ssyncadd.s32 $0xFFFFE000  }
0x18d: {  	_ =	swait.ge [sflag:s15], $0x2000  }
0x18e: {  	[sflag:s15] =	ssyncset.done $0x0  }
0x18f: {  	s16 =	rddreg [dreg:$0xe];
	[sflag:s15] =	ssyncadd.s32 $0xFFFFE000  }
0x190: {  	[hbm4b:s16+s4] =	stream.linear.scatter [tilespmem:s30], [sflag:$0x4], $0x8000, $0x38;
	[tilespmem:$0x16400] =	vst v63  }
0x191: {  	_ =	swait.ge [sflag:s10], $0x8000  }
0x192: {  	[sflag:s10] =	ssyncset.done $0x0  }
0x193: {  	[sflag:s10] =	ssyncadd.s32 $0xFFFF8000  }
0x194: {  	_ =	swait.ge [sflag:s24], $0x8000  }
0x195: {  	s0 =	sadd.s32 $0x1, s0;
	s18 =	rddreg [dreg:$0x6]  }
0x196: {  	p0 =	sne.s32 s0, s18  }
.Ltmp2:
0x197: {  	_ = 	snop;
	(pc) =	sbr.rel @p0 .LBB2_1-.Ltmp2, $3  }
0x198: {  	_ =	sdelay $0x1  }
0x199: {  	[sflag:s24] =	ssyncset.done $0x0  }
0x19a: {  	[sflag:s24] =	ssyncadd.s32 $0xFFFF8000  }
0x19b: {  	_ =	sfence.sel $0x180000  }
0x19c: {  	[bflag:$0x0] =	sbarrier.arrive $0xFFFF  }
0x19d: {  	_ =	strace $0x90000047  }
0x19e: {  	s0 =	stileid.u32;
	[bflag:$0x2] =	sbarrier.arrive $0xFFFF  }
0x19f: {  	p0 =	sne.s32 s0, $0x0;
	s0 =	rddreg [dreg:$0x3]  }
0x1a0: {  	s0 =	sadd.s32 @!p0 $0x100000, s0  }
0x1a1: {  	[sflag:s0] =	ssyncadd.tile.s32 @!p0 $0x1;
	_ =	shalt  }
.Lfunc_end2:
_tile_overlayer_lowered:
.L_overlay_start_2:
0x1a2: {  	(tag) =	ssettag $0x2  }
0x1a3: {  	s0 =	rddreg [dreg:$0x0];
	s2 =	stileid.u32  }
0x1a4: {  	s1 =	rddreg [dreg:$0x1];
	p0 =	sne.s32 s2, $0x0  }
0x1a5: {  	s3 =	rddreg [dreg:$0x2];
	[bflag:$0x3] =	sbarrier.arrive $0xFFFF;
	s2 =	simm.s32 @!p0 $0x1C05  }
0x1a6: {  	[timem:s3], [sflag:s2] =	dma.local @!p0 [hbm:s0], s1  }
0x1a7: {  	s0 =	simm.s32 @!p0 $0x5  }
0x1a8: {  	_ =	swait.ge @!p0 [sflag:s0], s1  }
0x1a9: {  	s1 =	ssub.s32 @!p0 $0x0, s1;
	[sflag:s0] =	ssyncset.done @!p0 $0x0  }
0x1aa: {  	[sflag:s0] =	ssyncadd.s32 @!p0 s1  }
0x1ab: {  	[bflag:$0x3] =	sbarrier.arrive $0xFFFF  }
0x1ac: {  	_ =	shalt  }

// kernel: sparse-core-data-format-call.1.cloned.1.call-start
scs
called_computation.1_lowered:
.L_overlay_start_0:
0x0: {  	s2 =	sld [smem:$0x3FD9]  }
0x1: {  	s3 =	sld [smem:$0x3FFE];
	_ =	sdelay $0x1  }
0x2: {  	s1 =	srdreg.scid  }
0x3: {  	s0 =	sand.u32 $0x1, s1  }
0x4: {  	s15 =	sshll.u32 s0, $0xA;
	s2 =	sadd.s32 s3, s2  }
0x5: {  	s2 =	sadd.s32 s2, s15  }
0x6: {  	[smem:$0x3FC5] =	sst s2  }
0x7: {  	_ = 	snop  }
0x8: {  	s2 =	sld [smem:$0x3FD0];
	_ =	sdelay $0x2  }
0x9: {  	s16 =	simm.s32 $0xB;
	s4 =	simm.s32 $0x10  }
0xa: {  	[smem:s4], [sflag:s16] =	dma.local [hbm:s2], $0x1  }
0xb: {  	_ =	swait.eq [sflag:s16], $0x1  }
0xc: {  	[sflag:s16] =	ssyncset.done $0x0  }
0xd: {  	[sflag:s16] =	ssyncadd.s32 $0xFFFFFFFF  }
0xe: {  	s17 =	sld [smem:$0x10];
	(tm) =	ssettm $0x1  }
0xf: {  	s18 =	sld [smem:$0x3FFB];
	_ =	sdelay $0x3  }
0x10: {  	_ =	strace s18  }
0x11: {  	s3 =	sld [smem:$0x3FFC];
	_ =	sdelay $0x3  }
0x12: {  	_ =	strace s3  }
0x13: {  	s3 =	sld [smem:$0x3FFD];
	_ =	sdelay $0x3  }
0x14: {  	_ =	strace s3  }
0x15: {  	_ =	strace $0x8FFFFFFF  }
0x16: {  	s19 =	sld [smem:$0x3FDB];
	_ =	sdelay $0x1  }
0x17: {  	s20 =	simm.s32 $_scs_section_size  }
0x18: {  	s5 =	simm.s32 $_size__tile_overlayer_lowered;
	s6 =	simm.s32 $_tile_overlayer_lowered  }
0x19: {  	s23 =	simm.s32 $0x1BFF;
	s22 =	sshll.u32 s6, $0x1;
	s3 =	sadd.s32 s20, s19  }
0x1a: {  	s7 =	simm.s32 $0x0;
	s21 =	sshll.u32 s5, $0x1;
	s5 =	sadd.s32 s22, s3  }
0x1b: {  	[timem:s7], [sflag:s23] =	dma.local [hbm:s5], s21  }
0x1c: {  	_ =	swait.ge [sflag:s23], s21  }
0x1d: {  	s4 =	ssub.s32 $0x0, s21;
	[sflag:s23] =	ssyncset.done $0x0  }
0x1e: {  	[sflag:s23] =	ssyncadd.s32 s4;
	_ =	sdelay $0x1  }
0x1f: {  	s24 =	simm.s32 $0x1B8B  }
0x20: {  	_ =	swait.ge [sflag:s24], $0x1  }
0x21: {  	[sflag:s24] =	ssyncset.done $0x0  }
0x22: {  	s26 =	simm.s32 $0x1B8E;
	s25 =	sld [smem:$0x3FFE];
	[sflag:s24] =	ssyncadd.s32 $0xFFFFFFFF  }
0x23: {  	s27 =	simm.s32 $execute0_lowered;
	[smem:$0x3FD2] =	sst s26  }
0x24: {  	s5 =	sshll.u32 s27, $0x1;
	_ =	strace $0x80000049;
	[dreg:$0x1] =	wrdreg $0xFFFFFFFF  }
0x25: {  	s28 =	simm.s32 $_size_execute0_lowered;
	s3 =	sadd.s32 s3, s5;
	[dreg:$0x0] =	wrdreg $0x0  }
0x26: {  	s5 =	sshll.u32 s28, $0x1;
	[dreg:$0x2] =	wrdreg s3  }
0x27: {  	[dreg:$0x3] =	wrdreg s5  }
0x28: {  	[dreg:$0x4] =	wrdreg $0xC0  }
0x29: {  	_ =	task [dreg:s7], $0x5FFFF  }
0x2a: {  	[dreg:$0x1] =	wrdreg $0xFFFFFFFF  }
0x2b: {  	[dreg:$0x0] =	wrdreg $0x60  }
0x2c: {  	[dreg:$0x2] =	wrdreg s25  }
0x2d: {  	[dreg:$0x3] =	wrdreg s17  }
0x2e: {  	[dreg:$0x4] =	wrdreg $0xA  }
0x2f: {  	_ =	task.clear_ibuf [dreg:s7], $0x5FFFF;
	_ =	strace $0x90000049  }
0x30: {  	s29 =	simm.s32 $0xA;
	_ =	strace $0x8000004B  }
0x31: {  	_ =	swait.ge [sflag:s29], $0x1  }
0x32: {  	[sflag:s29] =	ssyncadd.s32 $0xFFFFFFFF  }
0x33: {  	_ =	strace $0x9000004B  }
0x34: {  	_ =	sfence  }
0x35: {  	s30 =	sld [smem:$0x0];
	_ =	sdelay $0x2  }
0x36: {  	s31 =	sshll.u32 s1, $0xD;
	s1 =	sshrl.u32 s1, $0x2  }
0x37: {  	s3 =	sand.u32 $0x4000, s31;
	s1 =	sadd.s32 s1, s30  }
0x38: {  	s0 =	sor.u32 s3, s0;
	s1 =	sshll.u32 s1, $0x11  }
0x39: {  	s0 =	sor.u32 s1, s0  }
0x3a: {  	s0 =	sadd.s32 $0x8F2B, s0  }
0x3b: {  	[sflag:s0] =	ssyncadd.remote.s32 $0x1  }
0x3c: {  	_ =	sfence.sel $0xFFFF  }
0x3d: {  	[dreg:$0x0] =	wrdreg $0xFFFFFFFF;
	(pc) =	sbr.abs _section_cstart, $3  }
0x3e: {  	[dreg:$0x1] =	wrdreg $0xFFFFFFFF  }
0x3f: {  	_ =	task.clear_ibuf [dreg:s7], $0x2FFFF;
	_ =	strace $0x9FFFFFFF  }
0x40: {  	(tm) =	ssettm $0x7FFFFFFF  }
0x41: {  	_ =	shalt  }
tec
execute0_lowered:
.L_overlay_start_1:
0x0: {  	(tag) =	ssettag $0x1  }
0x1: {  	s0 =	srdreg.scid  }
0x2: {  	s1 =	sshll.u32 s0, $0x4  }
0x3: {  	s0 =	stileid.u32;
	s1 =	sand.u32 $0x10, s1  }
0x4: {  	s1 =	sor.u32 s0, s1  }
0x5: {  	s6 =	rddreg [dreg:$0x0];
	s4 =	simm.s32 $0x1;
	s2 =	sshll.u32 s1, $0x7  }
0x6: {  	s7 =	simm.s32 $0x2;
	s12 =	simm.s32 $0x0;
	s1 =	ssub.s32 $0x1000, s2  }
0x7: {  	s8 =	simm.s32 $0x8000;
	s13 =	simm.s32 $0x0;
	s3 =	sand.u32 $0xF80, s1  }
0x8: {  	s9 =	simm.s32 $0x0;
	s5 =	sshrl.u32 s1, $0xC;
	p0 =	sne.s32 s3, $0x0  }
.Ltmp0:
0x9: {  	s1 =	rddreg [dreg:$0x2];
	s4 =	simm.s32 @!p0 $0x0;
	(pc) =	sbr.rel .LBB1_1-.Ltmp0, $4  }
0xa: {  	s11 =	simm.s32 $0x0;
	s3 =	rddreg [dreg:$0x1];
	s5 =	sadd.s32 s4, s5  }
0xb: {  	_ =	strace $0x8000004A;
	s4 =	simm.s32 $0x1;
	s5 =	smul.u32 $0xC8, s5  }
0xc: {  	s6 =	sadd.s32 $0x1400, s6;
	s10 =	smov.u32 s2;
	[sflag:s4] =	ssyncpa.u1 $0x0  }
0xd: {  	p0 =	por $0x0, $0x0;
	[sflag:s7] =	ssyncpa.u1 $0x0;
	s7 =	sor.u32 $0x1, s5  }
.LBB1_4:
0xe: {  	s16 =	sshll.u32 s13, $0x3;
	s17 =	sand.u32 $0x78, s13  }
0xf: {  	s30 =	sand.u32 $0x7E00, s13;
	s12 =	sshll.u32 s12, $0xF;
	s16 =	sand.u32 $0xC00, s16  }
0x10: {  	[tilespmem:s15+$0x810 ss:$0x81] =	vst.msk $0xffff, v2;
	s31 =	sand.u32 $0x7, s13;
	s16 =	sor.u32 s17, s16;
	s17 =	sadd.s32 s3, s30  }
0x11: {  	[tilespmem:s15+$0x1020 ss:$0x81] =	vst.msk $0xffff, v0;
	s13 =	sshll.u32 s31, $0x12;
	s12 =	sadd.s32 s12, s17;
	s16 =	sshrl.u32 s16, $0x3  }
0x12: {  	[tilespmem:s15+$0x0 ss:$0x81] =	vst.msk $0xffff, v1;
	s13 =	sor.u32 $0x400, s13;
	s12 =	sadd.s32 s16, s12  }
0x13: {  	[hbm4b:s12+s13] =	stream.strided.scatter [tilespmem:s14], [sflag:$0x2], $0x2000, s8, s13, $0x20;
	[tilespmem:$0x8080] =	vst v63  }
.LBB1_5:
0x14: {  	s14 =	sadd.s32 $0x1, s9  }
0x15: {  	s12 =	sadd.s32 $0x1000, s10;
	s16 =	smov.u32 s10;
	p2 =	sgt.s32 s14, $0xC7  }
0x16: {  	s16 =	smov.u32 @p2 s12  }
0x17: {  	s14 =	simm.s32 @p2 $0x0;
	p2 =	sgt.s32 s16, $0xFFF  }
0x18: {  	s16 =	smov.u32 @p2 s2;
	p2 =	sne.s32 s11, s7  }
.Ltmp1:
0x19: {  	p1 =	slt.u32 s11, $0x2;
	(pc) =	sbr.rel @!p2 .LBB1_6-.Ltmp1, $4  }
0x1a: {  	s15 =	simm.s32 @!p1 $0x2  }
0x1b: {  	s13 =	smov.u32 s10;
	p0 =	por !p0, !p0;
	_ =	swait.ge @!p1 [sflag:s15], $0x2000  }
0x1c: {  	s12 =	smov.u32 s9;
	[sflag:s15] =	ssyncset.done @!p1 $0x0;
	s9 =	smov.u32 s14  }
0x1d: {  	s11 =	sadd.s32 $0x1, s11;
	[sflag:s15] =	ssyncadd.s32 @!p1 $0xFFFFE000;
	s10 =	smov.u32 s16  }
.LBB1_1:
0x1e: {  	p1 =	sge.u32 s11, s5  }
0x1f: {  	s14 =	sand.u32 @!p1 $0x1FFFFFF, s9  }
0x20: {  	s15 =	smulhi.u32 @!p1 $0x147AE15, s14;
	_ =	sdelay $0x1  }
0x21: {  	s15 =	smul.u32 @!p1 $0xC8, s15  }
0x22: {  	s16 =	sxor.u32 @!p1 $0xFFFFFFFF, s11;
	s17 =	smul.u32 @!p1 $0xC80, s10  }
0x23: {  	s31 =	sadd.s32 $0xFFFFFFFF, s11;
	s16 =	sshll.u32 @!p1 s16, $0xD;
	s14 =	ssub.s32 @!p1 s14, s15  }
0x24: {  	s15 =	sand.u32 @!p1 $0x2000, s16;
	s16 =	sadd.s32 @!p1 s6, s17;
	s14 =	sshll.u32 @!p1 s14, $0x4  }
0x25: {  	s17 =	simm.s32 @!p1 $0x6400;
	s14 =	sadd.s32 @!p1 s14, s16;
	s16 =	simm.s32 @!p1 $0x40  }
0x26: {  	[tilespmem:s15], [sflag:$0x1] =	stream.strided.gather @!p1 [hbm4b:s14+s16], $0x2000, s17, s16, $0x38;
	[tilespmem:$0x8080] =	vst v63  }
0x27: {  	p1 =	sge.u32 s31, s5  }
.Ltmp2:
0x28: {  	_ = 	snop;
	(pc) =	sbr.rel @p1 .LBB1_5-.Ltmp2, $1  }
0x29: {  	_ =	sdelay $0x3  }
0x2a: {  	s14 =	simm.s32 $0x1  }
0x2b: {  	_ =	swait.ge [sflag:s4], $0x2000;
	s14 =	simm.s32 @!p0 $0x0  }
0x2c: {  	[sflag:s4] =	ssyncset.done $0x0;
	s15 =	sshll.u32 s14, $0xD  }
0x2d: {  	[sflag:s4] =	ssyncadd.s32 $0xFFFFE000;
	s18 =	sor.u32 $0x20, s15  }
0x2e: {  	s14 =	smul.u32 $0x8100, s14;
	v3 =	vld [tilespmem:s18+$0x10]  }
0x2f: {  	s30 =	sand.u32 $0x1, s11;
	v2 =	vld [tilespmem:s18+$0xFFFFFFF0]  }
0x30: {  	s15 =	smul.u32 $0x8100, s30;
	s14 =	sshrl.u32 s14, $0x2;
	v0 =	vld [tilespmem:s18+$0x0]  }
0x31: {  	v1 =	vld [tilespmem:s18+$0xFFFFFFE0];
	s16 =	sor.u32 $0x4000, s14  }
0x32: {  	s31 =	sshrl.u32 s15, $0x2;
	s15 =	sadd.s32 $0x0, s16  }
0x33: {  	s17 =	simm.s32 $0x4;
	s18 =	sadd.s32 $0x40, s18;
	s14 =	sor.u32 $0x4000, s31;
	[tilespmem:s15+$0x1830 ss:$0x81] =	vst.msk $0xffff, v3  }
.LBB1_3:
0x34: {  	v3 =	vld [tilespmem:s18+$0x10];
	p1 =	sne.s32 s17, $0x1FC;
	[tilespmem:s15+$0x810 ss:$0x81] =	vst.msk $0xffff, v2;
	s19 =	smov.u32 s17;
	s17 =	sadd.s32 $0x4, s17  }
.Ltmp3:
0x35: {  	v2 =	vld [tilespmem:s18+$0xFFFFFFF0];
	[tilespmem:s15+$0x1020 ss:$0x81] =	vst.msk $0xffff, v0;
	(pc) =	sbr.rel @p1 .LBB1_3-.Ltmp3, $4  }
0x36: {  	v0 =	vld [tilespmem:s18+$0x0];
	[tilespmem:s15+$0x0 ss:$0x81] =	vst.msk $0xffff, v1  }
0x37: {  	s15 =	sshra.s32 s19, $0x2;
	v1 =	vld [tilespmem:s18+$0xFFFFFFE0]  }
0x38: {  	s15 =	sadd.s32 s15, s16  }
0x39: {  	s18 =	sadd.s32 $0x40, s18;
	[tilespmem:s15+$0x1830 ss:$0x81] =	vst.msk $0xffff, v3  }
.Ltmp4:
0x3a: {  	_ = 	snop;
	(pc) =	sbr.rel .LBB1_4-.Ltmp4, $1  }
0x3b: {  	_ =	sdelay $0x3  }
.LBB1_6:
0x3c: {  	_ =	sfence.sel $0x180000  }
0x3d: {  	s2 =	simm.s32 $0x1;
	[bflag:$0x0] =	sbarrier.arrive $0xFFFF  }
0x3e: {  	s31 =	simm.s32 $0x2;
	[sflag:s2] =	ssyncpa.u1 $0x1  }
0x3f: {  	[sflag:s31] =	ssyncpa.u1 $0x1  }
0x40: {  	p0 =	sne.s32 s0, $0x0;
	_ =	strace $0x9000004A  }
0x41: {  	s0 =	sadd.s32 @!p0 $0x100000, s1;
	[bflag:$0x2] =	sbarrier.arrive $0xFFFF  }
0x42: {  	[sflag:s0] =	ssyncadd.tile.s32 @!p0 $0x1;
	_ =	shalt  }
.Lfunc_end1:
_tile_overlayer_lowered:
.L_overlay_start_2:
0x43: {  	(tag) =	ssettag $0x2  }
0x44: {  	s0 =	rddreg [dreg:$0x0];
	s2 =	stileid.u32  }
0x45: {  	s1 =	rddreg [dreg:$0x1];
	p0 =	sne.s32 s2, $0x0  }
0x46: {  	s3 =	rddreg [dreg:$0x2];
	[bflag:$0x3] =	sbarrier.arrive $0xFFFF;
	s2 =	simm.s32 @!p0 $0x1C01  }
0x47: {  	[timem:s3], [sflag:s2] =	dma.local @!p0 [hbm:s0], s1  }
0x48: {  	s0 =	simm.s32 @!p0 $0x1  }
0x49: {  	_ =	swait.ge @!p0 [sflag:s0], s1  }
0x4a: {  	s1 =	ssub.s32 @!p0 $0x0, s1;
	[sflag:s0] =	ssyncset.done @!p0 $0x0  }
0x4b: {  	[sflag:s0] =	ssyncadd.s32 @!p0 s1  }
0x4c: {  	[bflag:$0x3] =	sbarrier.arrive $0xFFFF  }
0x4d: {  	_ =	shalt  }

// kernel: sparse-core-data-format-call.cloned.1.call-start
scs
called_computation_lowered:
.L_overlay_start_0:
0x0: {  	s2 =	sld [smem:$0x3FD9]  }
0x1: {  	s3 =	sld [smem:$0x3FFE];
	_ =	sdelay $0x1  }
0x2: {  	s1 =	srdreg.scid  }
0x3: {  	s0 =	sand.u32 $0x1, s1  }
0x4: {  	s16 =	sshll.u32 s0, $0xA;
	s2 =	sadd.s32 s3, s2  }
0x5: {  	s2 =	sadd.s32 s2, s16  }
0x6: {  	[smem:$0x3FC5] =	sst s2  }
0x7: {  	_ = 	snop  }
0x8: {  	s2 =	sld [smem:$0x3FD0];
	_ =	sdelay $0x2  }
0x9: {  	s17 =	simm.s32 $0xB;
	s4 =	simm.s32 $0x10  }
0xa: {  	[smem:s4], [sflag:s17] =	dma.local [hbm:s2], $0x1  }
0xb: {  	_ =	swait.eq [sflag:s17], $0x1  }
0xc: {  	[sflag:s17] =	ssyncset.done $0x0  }
0xd: {  	[sflag:s17] =	ssyncadd.s32 $0xFFFFFFFF  }
0xe: {  	s18 =	sld [smem:$0x11];
	(tm) =	ssettm $0x1  }
0xf: {  	s19 =	sld [smem:$0x3FFB];
	_ =	sdelay $0x3  }
0x10: {  	_ =	strace s19  }
0x11: {  	s2 =	sld [smem:$0x3FFC];
	_ =	sdelay $0x3  }
0x12: {  	_ =	strace s2  }
0x13: {  	s2 =	sld [smem:$0x3FFD];
	_ =	sdelay $0x3  }
0x14: {  	_ =	strace s2  }
0x15: {  	_ =	strace $0x8FFFFFFF  }
0x16: {  	s20 =	sld [smem:$0x3FDB];
	_ =	sdelay $0x1  }
0x17: {  	s21 =	simm.s32 $_scs_section_size  }
0x18: {  	s5 =	simm.s32 $_size__tile_overlayer_lowered;
	s6 =	simm.s32 $_tile_overlayer_lowered  }
0x19: {  	s7 =	simm.s32 $0x1BFF;
	s22 =	sshll.u32 s6, $0x1;
	s4 =	sadd.s32 s21, s20  }
0x1a: {  	s23 =	simm.s32 $0x0;
	s5 =	sshll.u32 s5, $0x1;
	s6 =	sadd.s32 s22, s4  }
0x1b: {  	[timem:s23], [sflag:s7] =	dma.local [hbm:s6], s5  }
0x1c: {  	_ =	swait.ge [sflag:s7], s5  }
0x1d: {  	s5 =	ssub.s32 $0x0, s5;
	[sflag:s7] =	ssyncset.done $0x0  }
0x1e: {  	[sflag:s7] =	ssyncadd.s32 s5;
	_ =	sdelay $0x1  }
0x1f: {  	s24 =	simm.s32 $0x1B8B  }
0x20: {  	_ =	swait.ge [sflag:s24], $0x1  }
0x21: {  	[sflag:s24] =	ssyncset.done $0x0  }
0x22: {  	[sflag:s24] =	ssyncadd.s32 $0xFFFFFFFF  }
0x23: {  	s5 =	sld [smem:$0x0]  }
0x24: {  	s6 =	sand.u32 $0xFFFFFFFE, s1  }
0x25: {  	p0 =	sne.s32 s1, s6  }
0x26: {  	s6 =	sshll.u32 @p0 s6, $0xE  }
0x27: {  	s6 =	sadd.s32 @p0 $0x11B8D, s6;
	s7 =	sshll.u32 @p0 s5, $0x11  }
0x28: {  	s6 =	sor.u32 @p0 s7, s6  }
0x29: {  	[sflag:s6] =	ssyncadd.remote.s32 @p0 $0x1;
	_ =	sdelay $0x1  }
0x2a: {  	s6 =	simm.s32 @p0 $0x1B8D  }
0x2b: {  	_ =	swait.eq @p0 [sflag:s6], $0x1  }
0x2c: {  	[sflag:s6] =	ssyncadd.s32 @p0 $0xFFFFFFFF  }
0x2d: {  	s7 =	sshll.u32 @!p0 s1, $0xE  }
0x2e: {  	s7 =	sor.u32 @!p0 $0x4000, s7;
	s6 =	simm.s32 @!p0 $0x1B8D  }
0x2f: {  	s5 =	sshll.u32 @!p0 s5, $0x11;
	s7 =	sadd.s32 @!p0 $0x11B8D, s7;
	_ =	swait.eq @!p0 [sflag:s6], $0x1  }
0x30: {  	s5 =	sor.u32 @!p0 s5, s7;
	[sflag:s6] =	ssyncadd.s32 @!p0 $0xFFFFFFFF  }
0x31: {  	s26 =	simm.s32 $0x1B8E;
	s25 =	sld [smem:$0x3FFE];
	[sflag:s5] =	ssyncadd.remote.s32 @!p0 $0x1  }
0x32: {  	s27 =	simm.s32 $execute0_lowered;
	[smem:$0x3FD2] =	sst s26  }
0x33: {  	s6 =	sshll.u32 s27, $0x1;
	_ =	strace $0x8000004C;
	[dreg:$0x1] =	wrdreg $0xFFFFFFFF  }
0x34: {  	s28 =	simm.s32 $_size_execute0_lowered;
	s4 =	sadd.s32 s4, s6;
	[dreg:$0x0] =	wrdreg $0x0  }
0x35: {  	s6 =	sshll.u32 s28, $0x1;
	[dreg:$0x2] =	wrdreg s4  }
0x36: {  	[dreg:$0x3] =	wrdreg s6  }
0x37: {  	[dreg:$0x4] =	wrdreg $0xC0  }
0x38: {  	_ =	task [dreg:s23], $0x5FFFF  }
0x39: {  	[dreg:$0x1] =	wrdreg $0xFFFFFFFF  }
0x3a: {  	[dreg:$0x0] =	wrdreg $0x60  }
0x3b: {  	[dreg:$0x2] =	wrdreg s25  }
0x3c: {  	[dreg:$0x3] =	wrdreg s18  }
0x3d: {  	[dreg:$0x4] =	wrdreg $0x9  }
0x3e: {  	_ =	task.clear_ibuf [dreg:s23], $0x5FFFF;
	_ =	strace $0x9000004C  }
0x3f: {  	s29 =	simm.s32 $0x9;
	_ =	strace $0x8000004E  }
0x40: {  	_ =	swait.ge [sflag:s29], $0x1  }
0x41: {  	[sflag:s29] =	ssyncadd.s32 $0xFFFFFFFF  }
0x42: {  	_ =	strace $0x9000004E  }
0x43: {  	_ =	sfence  }
0x44: {  	s30 =	sld [smem:$0x0];
	_ =	sdelay $0x2  }
0x45: {  	s31 =	sshll.u32 s1, $0xD;
	s1 =	sshrl.u32 s1, $0x2  }
0x46: {  	s4 =	sand.u32 $0x4000, s31;
	s1 =	sadd.s32 s1, s30  }
0x47: {  	s0 =	sor.u32 s4, s0;
	s1 =	sshll.u32 s1, $0x11  }
0x48: {  	s0 =	sor.u32 s1, s0  }
0x49: {  	s0 =	sadd.s32 $0x8F2B, s0  }
0x4a: {  	[sflag:s0] =	ssyncadd.remote.s32 $0x1  }
0x4b: {  	_ =	sfence.sel $0xFFFF  }
0x4c: {  	[dreg:$0x0] =	wrdreg $0xFFFFFFFF;
	(pc) =	sbr.abs _section_cstart, $3  }
0x4d: {  	[dreg:$0x1] =	wrdreg $0xFFFFFFFF  }
0x4e: {  	_ =	task.clear_ibuf [dreg:s23], $0x2FFFF;
	_ =	strace $0x9FFFFFFF  }
0x4f: {  	(tm) =	ssettm $0x7FFFFFFF  }
tec
execute0_lowered:
.L_overlay_start_1:
0x0: {  	(tag) =	ssettag $0x1  }
0x1: {  	s0 =	srdreg.scid  }
0x2: {  	s1 =	sshll.u32 s0, $0x4  }
0x3: {  	s0 =	stileid.u32;
	s1 =	sand.u32 $0x10, s1  }
0x4: {  	s1 =	sor.u32 s0, s1  }
0x5: {  	s6 =	rddreg [dreg:$0x0];
	s4 =	simm.s32 $0x1;
	s2 =	sshll.u32 s1, $0x7  }
0x6: {  	s7 =	simm.s32 $0x2;
	s12 =	simm.s32 $0x0;
	s1 =	ssub.s32 $0x1000, s2  }
0x7: {  	s8 =	simm.s32 $0x8000;
	s13 =	simm.s32 $0x0;
	s3 =	sand.u32 $0xF80, s1  }
0x8: {  	s9 =	simm.s32 $0x0;
	s5 =	sshrl.u32 s1, $0xC;
	p0 =	sne.s32 s3, $0x0  }
.Ltmp0:
0x9: {  	s1 =	rddreg [dreg:$0x2];
	s4 =	simm.s32 @!p0 $0x0;
	(pc) =	sbr.rel .LBB1_1-.Ltmp0, $4  }
0xa: {  	s11 =	simm.s32 $0x0;
	s3 =	rddreg [dreg:$0x1];
	s5 =	sadd.s32 s4, s5  }
0xb: {  	_ =	strace $0x8000004D;
	s4 =	simm.s32 $0x1;
	s5 =	smul.u32 $0xC8, s5  }
0xc: {  	s6 =	sadd.s32 $0xC81400, s6;
	s10 =	smov.u32 s2;
	[sflag:s4] =	ssyncpa.u1 $0x0  }
0xd: {  	p0 =	por $0x0, $0x0;
	[sflag:s7] =	ssyncpa.u1 $0x0;
	s7 =	sor.u32 $0x1, s5  }
.LBB1_4:
0xe: {  	s16 =	sshll.u32 s13, $0x3;
	s17 =	sand.u32 $0x78, s13  }
0xf: {  	s30 =	sand.u32 $0x7E00, s13;
	s12 =	sshll.u32 s12, $0xF;
	s16 =	sand.u32 $0xC00, s16  }
0x10: {  	[tilespmem:s15+$0x810 ss:$0x81] =	vst.msk $0xffff, v2;
	s31 =	sand.u32 $0x7, s13;
	s16 =	sor.u32 s17, s16;
	s17 =	sadd.s32 s3, s30  }
0x11: {  	[tilespmem:s15+$0x1020 ss:$0x81] =	vst.msk $0xffff, v0;
	s13 =	sshll.u32 s31, $0x12;
	s12 =	sadd.s32 s12, s17;
	s16 =	sshrl.u32 s16, $0x3  }
0x12: {  	[tilespmem:s15+$0x0 ss:$0x81] =	vst.msk $0xffff, v1;
	s13 =	sor.u32 $0x400, s13;
	s12 =	sadd.s32 s16, s12  }
0x13: {  	[hbm4b:s12+s13] =	stream.strided.scatter [tilespmem:s14], [sflag:$0x2], $0x2000, s8, s13, $0x20;
	[tilespmem:$0x8080] =	vst v63  }
.LBB1_5:
0x14: {  	s14 =	sadd.s32 $0x1, s9  }
0x15: {  	s12 =	sadd.s32 $0x1000, s10;
	s16 =	smov.u32 s10;
	p2 =	sgt.s32 s14, $0xC7  }
0x16: {  	s16 =	smov.u32 @p2 s12  }
0x17: {  	s14 =	simm.s32 @p2 $0x0;
	p2 =	sgt.s32 s16, $0xFFF  }
0x18: {  	s16 =	smov.u32 @p2 s2;
	p2 =	sne.s32 s11, s7  }
.Ltmp1:
0x19: {  	p1 =	slt.u32 s11, $0x2;
	(pc) =	sbr.rel @!p2 .LBB1_6-.Ltmp1, $4  }
0x1a: {  	s15 =	simm.s32 @!p1 $0x2  }
0x1b: {  	s13 =	smov.u32 s10;
	p0 =	por !p0, !p0;
	_ =	swait.ge @!p1 [sflag:s15], $0x2000  }
0x1c: {  	s12 =	smov.u32 s9;
	[sflag:s15] =	ssyncset.done @!p1 $0x0;
	s9 =	smov.u32 s14  }
0x1d: {  	s11 =	sadd.s32 $0x1, s11;
	[sflag:s15] =	ssyncadd.s32 @!p1 $0xFFFFE000;
	s10 =	smov.u32 s16  }
.LBB1_1:
0x1e: {  	p1 =	sge.u32 s11, s5  }
0x1f: {  	s14 =	sand.u32 @!p1 $0x1FFFFFF, s9  }
0x20: {  	s15 =	smulhi.u32 @!p1 $0x147AE15, s14;
	_ =	sdelay $0x1  }
0x21: {  	s15 =	smul.u32 @!p1 $0xC8, s15  }
0x22: {  	s16 =	sxor.u32 @!p1 $0xFFFFFFFF, s11;
	s17 =	smul.u32 @!p1 $0xC80, s10  }
0x23: {  	s31 =	sadd.s32 $0xFFFFFFFF, s11;
	s16 =	sshll.u32 @!p1 s16, $0xD;
	s14 =	ssub.s32 @!p1 s14, s15  }
0x24: {  	s15 =	sand.u32 @!p1 $0x2000, s16;
	s16 =	sadd.s32 @!p1 s6, s17;
	s14 =	sshll.u32 @!p1 s14, $0x4  }
0x25: {  	s17 =	simm.s32 @!p1 $0x6400;
	s14 =	sadd.s32 @!p1 s14, s16;
	s16 =	simm.s32 @!p1 $0x40  }
0x26: {  	[tilespmem:s15], [sflag:$0x1] =	stream.strided.gather @!p1 [hbm4b:s14+s16], $0x2000, s17, s16, $0x38;
	[tilespmem:$0x8080] =	vst v63  }
0x27: {  	p1 =	sge.u32 s31, s5  }
.Ltmp2:
0x28: {  	_ = 	snop;
	(pc) =	sbr.rel @p1 .LBB1_5-.Ltmp2, $1  }
0x29: {  	_ =	sdelay $0x3  }
0x2a: {  	s14 =	simm.s32 $0x1  }
0x2b: {  	_ =	swait.ge [sflag:s4], $0x2000;
	s14 =	simm.s32 @!p0 $0x0  }
0x2c: {  	[sflag:s4] =	ssyncset.done $0x0;
	s15 =	sshll.u32 s14, $0xD  }
0x2d: {  	[sflag:s4] =	ssyncadd.s32 $0xFFFFE000;
	s18 =	sor.u32 $0x20, s15  }
0x2e: {  	s14 =	smul.u32 $0x8100, s14;
	v3 =	vld [tilespmem:s18+$0x10]  }
0x2f: {  	s30 =	sand.u32 $0x1, s11;
	v2 =	vld [tilespmem:s18+$0xFFFFFFF0]  }
0x30: {  	s15 =	smul.u32 $0x8100, s30;
	s14 =	sshrl.u32 s14, $0x2;
	v0 =	vld [tilespmem:s18+$0x0]  }
0x31: {  	v1 =	vld [tilespmem:s18+$0xFFFFFFE0];
	s16 =	sor.u32 $0x4000, s14  }
0x32: {  	s31 =	sshrl.u32 s15, $0x2;
	s15 =	sadd.s32 $0x0, s16  }
0x33: {  	s17 =	simm.s32 $0x4;
	s18 =	sadd.s32 $0x40, s18;
	s14 =	sor.u32 $0x4000, s31;
	[tilespmem:s15+$0x1830 ss:$0x81] =	vst.msk $0xffff, v3  }
.LBB1_3:
0x34: {  	v3 =	vld [tilespmem:s18+$0x10];
	p1 =	sne.s32 s17, $0x1FC;
	[tilespmem:s15+$0x810 ss:$0x81] =	vst.msk $0xffff, v2;
	s19 =	smov.u32 s17;
	s17 =	sadd.s32 $0x4, s17  }
.Ltmp3:
0x35: {  	v2 =	vld [tilespmem:s18+$0xFFFFFFF0];
	[tilespmem:s15+$0x1020 ss:$0x81] =	vst.msk $0xffff, v0;
	(pc) =	sbr.rel @p1 .LBB1_3-.Ltmp3, $4  }
0x36: {  	v0 =	vld [tilespmem:s18+$0x0];
	[tilespmem:s15+$0x0 ss:$0x81] =	vst.msk $0xffff, v1  }
0x37: {  	s15 =	sshra.s32 s19, $0x2;
	v1 =	vld [tilespmem:s18+$0xFFFFFFE0]  }
0x38: {  	s15 =	sadd.s32 s15, s16  }
0x39: {  	s18 =	sadd.s32 $0x40, s18;
	[tilespmem:s15+$0x1830 ss:$0x81] =	vst.msk $0xffff, v3  }
.Ltmp4:
0x3a: {  	_ = 	snop;
	(pc) =	sbr.rel .LBB1_4-.Ltmp4, $1  }
0x3b: {  	_ =	sdelay $0x3  }
.LBB1_6:
0x3c: {  	_ =	sfence.sel $0x180000  }
0x3d: {  	s2 =	simm.s32 $0x1;
	[bflag:$0x0] =	sbarrier.arrive $0xFFFF  }
0x3e: {  	s31 =	simm.s32 $0x2;
	[sflag:s2] =	ssyncpa.u1 $0x1  }
0x3f: {  	[sflag:s31] =	ssyncpa.u1 $0x1  }
0x40: {  	p0 =	sne.s32 s0, $0x0;
	_ =	strace $0x9000004D  }
0x41: {  	s0 =	sadd.s32 @!p0 $0x100000, s1;
	[bflag:$0x2] =	sbarrier.arrive $0xFFFF  }
0x42: {  	[sflag:s0] =	ssyncadd.tile.s32 @!p0 $0x1;
	_ =	shalt  }
.Lfunc_end1:
_tile_overlayer_lowered:
.L_overlay_start_2:
0x43: {  	(tag) =	ssettag $0x2  }
0x44: {  	s0 =	rddreg [dreg:$0x0];
	s2 =	stileid.u32  }
0x45: {  	s1 =	rddreg [dreg:$0x1];
	p0 =	sne.s32 s2, $0x0  }
0x46: {  	s3 =	rddreg [dreg:$0x2];
	[bflag:$0x3] =	sbarrier.arrive $0xFFFF;
	s2 =	simm.s32 @!p0 $0x1C01  }
0x47: {  	[timem:s3], [sflag:s2] =	dma.local @!p0 [hbm:s0], s1  }
0x48: {  	s0 =	simm.s32 @!p0 $0x1  }
0x49: {  	_ =	swait.ge @!p0 [sflag:s0], s1  }
0x4a: {  	s1 =	ssub.s32 @!p0 $0x0, s1;
	[sflag:s0] =	ssyncset.done @!p0 $0x0  }
0x4b: {  	[sflag:s0] =	ssyncadd.s32 @!p0 s1  }
0x4c: {  	[bflag:$0x3] =	sbarrier.arrive $0xFFFF  }
0x4d: {  	_ =	shalt  }

</sc_bundles>
